<compile_context>
chip_gen: v7x
topology: tpu7x:2x2x1
jax: 0.10.2.dev20260603
libtpu: 0.0.44.dev20260713+nightly
codegen_flags: <defaults>
</compile_context>

<pallas_src>
import functools

import jax
import jax.numpy as jnp
from jax import lax
from jax.experimental import pallas as pl
from jax.experimental.pallas import tpu as pltpu
from jax.experimental.pallas import tpu_sc as plsc

N_TOK = 8192
HID = 4096
LANES = 16
NC = 2
NS = 16
NW = NC * NS
TPW = N_TOK // NW
C = 4
NCHUNK = TPW // C
VPT = HID // LANES


def _build():
    mesh = plsc.VectorSubcoreMesh(core_axis_name="c", subcore_axis_name="s")

    @functools.partial(
        pl.kernel,
        out_type=jax.ShapeDtypeStruct((N_TOK, HID), jnp.float32),
        mesh=mesh,
        scratch_types=[
            pltpu.VMEM((NCHUNK, C), jnp.int32),
            pltpu.VMEM((NCHUNK, C), jnp.int32),
            pltpu.VMEM((TPW + LANES,), jnp.float32),
            pltpu.VMEM((TPW + LANES,), jnp.float32),
            pltpu.VMEM((C, HID), jnp.float32),
            pltpu.VMEM((C, HID), jnp.float32),
            pltpu.VMEM((C, HID), jnp.float32),
            pltpu.VMEM((C, HID), jnp.float32),
            pltpu.VMEM((C, HID), jnp.float32),
            pltpu.VMEM((C, HID), jnp.float32),
            pltpu.SemaphoreType.DMA,
            pltpu.SemaphoreType.DMA,
            pltpu.SemaphoreType.DMA,
            pltpu.SemaphoreType.DMA,
        ],
    )
    def k(moe_hbm, idx0_hbm, idx1_hbm, s0_hbm, s1_hbm, out_hbm,
          idx0_v, idx1_v, w0_v, w1_v, a0, a1, b0, b1, o0, o1,
          sem_i0, sem_i1, sem_o0, sem_o1):
        wid = lax.axis_index("s") * NC + lax.axis_index("c")
        base = wid * TPW

        bufs_a = (a0, a1)
        bufs_b = (b0, b1)
        bufs_o = (o0, o1)
        sems_i = (sem_i0, sem_i1)
        sems_o = (sem_o0, sem_o1)

        def start_gather(c, p):
            pltpu.async_copy(moe_hbm.at[idx0_v.at[c]], bufs_a[p], sems_i[p])
            pltpu.async_copy(moe_hbm.at[idx1_v.at[c]], bufs_b[p], sems_i[p])

        def wait_gather(p):
            pltpu.make_async_copy(moe_hbm.at[idx0_v.at[0]], bufs_a[p], sems_i[p]).wait()
            pltpu.make_async_copy(moe_hbm.at[idx1_v.at[0]], bufs_b[p], sems_i[p]).wait()

        def wait_out(p):
            pltpu.make_async_copy(bufs_o[p], out_hbm.at[pl.ds(base, C)], sems_o[p]).wait()

        pltpu.sync_copy(idx0_hbm.at[wid], idx0_v)
        pltpu.sync_copy(idx1_hbm.at[wid], idx1_v)
        start_gather(0, 0)
        start_gather(1, 1)
        pltpu.sync_copy(s0_hbm.at[wid], w0_v.at[pl.ds(0, TPW)])
        pltpu.sync_copy(s1_hbm.at[wid], w1_v.at[pl.ds(0, TPW)])

        def norm_body(i, carry):
            sl = pl.ds(i * LANES, LANES)
            a = w0_v[sl]
            b = w1_v[sl]
            t = a + b
            w0_v[sl] = a / t
            w1_v[sl] = b / t
            return carry

        lax.fori_loop(0, TPW // LANES, norm_body, 0)

        def outer(g, carry):
            for p in range(2):
                c = g * 2 + p
                if p == 0:
                    @pl.when(g >= 1)
                    def _():
                        start_gather(c + 1, 1)
                else:
                    @pl.when(g + 1 < NCHUNK // 2)
                    def _():
                        start_gather(c + 1, 0)
                wait_gather(p)

                @pl.when(g >= 1)
                def _():
                    wait_out(p)

                w0c = w0_v[pl.ds(c * C, LANES)]
                w1c = w1_v[pl.ds(c * C, LANES)]
                w0s = [jnp.full((LANES,), w0c[t]) for t in range(C)]
                w1s = [jnp.full((LANES,), w1c[t]) for t in range(C)]
                buf_a = bufs_a[p]
                buf_b = bufs_b[p]
                buf_o = bufs_o[p]

                def vec_body(v, carry2):
                    sl = pl.ds(v * LANES, LANES)
                    for t in range(C):
                        buf_o[t, sl] = buf_a[t, sl] * w0s[t] + buf_b[t, sl] * w1s[t]
                    return carry2

                lax.fori_loop(0, VPT, vec_body, 0, unroll=2)
                pltpu.async_copy(buf_o, out_hbm.at[pl.ds(base + c * C, C)], sems_o[p])
            return carry

        lax.fori_loop(0, NCHUNK // 2, outer, 0)
        wait_out(0)
        wait_out(1)

    return k


_sc_combine = _build()


def kernel(moe_output, scores, mapped_slots, expert_counts):
    del expert_counts
    idx0 = mapped_slots[:, 0].reshape(NW, NCHUNK, C)
    idx1 = mapped_slots[:, 1].reshape(NW, NCHUNK, C)
    s0 = scores[:, 0].reshape(NW, TPW)
    s1 = scores[:, 1].reshape(NW, TPW)
    return _sc_combine(moe_output, idx0, idx1, s0, s1)

# --- scband reference (transcript-rebuilt; emitter-appended) ---
"""Pipeline reference for scband-ragged-mo-egather-module-4148938408159 (READ-ONLY COPY).

The authoritative reference and input builder live on the scoring server;
editing this copy changes nothing except your own understanding.
"""

import jax, jax.numpy as jnp
import numpy as np

N_TOKENS = 8192
TOP_K = 2
HIDDEN = 4096
N_EXPERTS = 8
TOTAL_SLOTS = N_TOKENS * TOP_K
NORMALIZE_SCORES = True


def setup_inputs(seed: int = 0) -> dict:
    key = jax.random.key(seed)
    k1, k2, k3, k4 = jax.random.split(key, 4)
    moe_output = jax.random.normal(k1, (TOTAL_SLOTS, HIDDEN), dtype=jnp.float32)
    scores = jax.random.uniform(k2, (N_TOKENS, TOP_K), dtype=jnp.float32)
    mapped_slots = jax.random.randint(k3, (N_TOKENS, TOP_K), 0, TOTAL_SLOTS, dtype=jnp.int32)
    expert_counts = jax.random.randint(k4, (N_EXPERTS,), 0, TOTAL_SLOTS, dtype=jnp.int32)
    return {
        "moe_output": moe_output,
        "scores": scores,
        "mapped_slots": mapped_slots,
        "expert_counts": expert_counts,
    }


def reference(moe_output, scores, mapped_slots, expert_counts):
    # Ragged MoE gather: for each token, gather its top_k expert output rows
    # (located at mapped_slots in the expert-major moe_output buffer) and
    # combine them weighted by the (optionally normalized) router scores.
    s = scores
    if NORMALIZE_SCORES:
        s = s / jnp.sum(s, axis=-1, keepdims=True)
    gathered = jnp.take(moe_output, mapped_slots, axis=0)  # [n_tokens, top_k, hidden]
    layer_output = jnp.sum(gathered * s[..., None], axis=1)  # [n_tokens, hidden]
    return layer_output

if __name__ == "__main__":
    import jax
    _d = setup_inputs()
    print(jax.jit(kernel)(*tuple(_d.values())))

</pallas_src>

<mosaic_0001>
#map = affine_map<(d0, d1) -> (0, 0)>
#map1 = affine_map<(d0, d1) -> (0, 0, 0)>
module attributes {stable_mosaic.version = 14 : i64} {
  func.func @k(%arg0: i32, %arg1: i32, %arg2: memref<16384x4096xf32, #tpu.memory_space<hbm>>, %arg3: memref<32x64x4xi32, #tpu.memory_space<hbm>>, %arg4: memref<32x64x4xi32, #tpu.memory_space<hbm>>, %arg5: memref<32x256xf32, #tpu.memory_space<hbm>>, %arg6: memref<32x256xf32, #tpu.memory_space<hbm>>, %arg7: memref<8192x4096xf32, #tpu.memory_space<hbm>>, %arg8: memref<64x4xi32, #tpu.memory_space<vmem>>, %arg9: memref<64x4xi32, #tpu.memory_space<vmem>>, %arg10: memref<272xf32, #tpu.memory_space<vmem>>, %arg11: memref<272xf32, #tpu.memory_space<vmem>>, %arg12: memref<4x4096xf32, #tpu.memory_space<vmem>>, %arg13: memref<4x4096xf32, #tpu.memory_space<vmem>>, %arg14: memref<4x4096xf32, #tpu.memory_space<vmem>>, %arg15: memref<4x4096xf32, #tpu.memory_space<vmem>>, %arg16: memref<4x4096xf32, #tpu.memory_space<vmem>>, %arg17: memref<4x4096xf32, #tpu.memory_space<vmem>>, %arg18: memref<!tpu.dma_semaphore, #tpu.memory_space<semaphore_mem>>, %arg19: memref<!tpu.dma_semaphore, #tpu.memory_space<semaphore_mem>>, %arg20: memref<!tpu.dma_semaphore, #tpu.memory_space<semaphore_mem>>, %arg21: memref<!tpu.dma_semaphore, #tpu.memory_space<semaphore_mem>>) attributes {dimension_semantics = [#tpu.dimension_semantics<core_parallel>, #tpu.dimension_semantics<subcore_parallel>], iteration_bounds = array<i64: 2, 16>, scalar_prefetch = 0 : i64, scratch_operands = 14 : i64, tpu.core_type = #tpu.core_type<sc_vector_subcore>, window_params = [{transform_indices = #map}, {transform_indices = #map1}, {transform_indices = #map1}, {transform_indices = #map}, {transform_indices = #map}, {transform_indices = #map}]} {
    %mul3A = arith.constant 2 : i32
    %mul3A_0 = arith.muli %arg1, %mul3A : i32
    %add3A = arith.addi %mul3A_0, %arg0 : i32
    %mul3A_1 = arith.constant 256 : i32
    %mul3A_2 = arith.muli %add3A, %mul3A_1 : i32
    "tpu.region"() ({
      %run_scoped3A = tpu.sem_alloc : memref<!tpu.dma_semaphore, #tpu.memory_space<semaphore_mem>>
      %dma_start3A_48 = arith.constant 0 : i32
      %dma_start3A_49 = arith.constant 0 : i32
      %dma_start3A_50 = tpu.memref_slice %arg3[%add3A, %dma_start3A_48, %dma_start3A_49] : memref<32x64x4xi32, #tpu.memory_space<hbm>> -> memref<1x64x4xi32, #tpu.memory_space<hbm>>
      %dma_start3A_51 = tpu.memref_squeeze %dma_start3A_50 : memref<1x64x4xi32, #tpu.memory_space<hbm>> -> memref<64x4xi32, #tpu.memory_space<hbm>>
      %dma_start3A_52 = arith.constant 0 : i32
      %dma_start3A_53 = arith.constant 0 : i32
      %dma_start3A_54 = tpu.memref_slice %arg3[%add3A, %dma_start3A_52, %dma_start3A_53] : memref<32x64x4xi32, #tpu.memory_space<hbm>> -> memref<1x64x4xi32, #tpu.memory_space<hbm>>
      %dma_start3A_55 = tpu.memref_squeeze %dma_start3A_54 : memref<1x64x4xi32, #tpu.memory_space<hbm>> -> memref<64x4xi32, #tpu.memory_space<hbm>>
      tpu.enqueue_dma source(%dma_start3A_55 : memref<64x4xi32, #tpu.memory_space<hbm>>) target(%arg8 : memref<64x4xi32, #tpu.memory_space<vmem>>) target_semaphore(%run_scoped3A : memref<!tpu.dma_semaphore, #tpu.memory_space<semaphore_mem>>)
      %dma_wait3A_56 = arith.constant 0 : i32
      %dma_wait3A_57 = arith.constant 0 : i32
      %dma_wait3A_58 = tpu.memref_slice %arg3[%add3A, %dma_wait3A_56, %dma_wait3A_57] : memref<32x64x4xi32, #tpu.memory_space<hbm>> -> memref<1x64x4xi32, #tpu.memory_space<hbm>>
      %dma_wait3A_59 = tpu.memref_squeeze %dma_wait3A_58 : memref<1x64x4xi32, #tpu.memory_space<hbm>> -> memref<64x4xi32, #tpu.memory_space<hbm>>
      %dma_wait3A_60 = arith.constant 0 : i32
      %dma_wait3A_61 = arith.constant 0 : i32
      %dma_wait3A_62 = tpu.memref_slice %arg3[%add3A, %dma_wait3A_60, %dma_wait3A_61] : memref<32x64x4xi32, #tpu.memory_space<hbm>> -> memref<1x64x4xi32, #tpu.memory_space<hbm>>
      %dma_wait3A_63 = tpu.memref_squeeze %dma_wait3A_62 : memref<1x64x4xi32, #tpu.memory_space<hbm>> -> memref<64x4xi32, #tpu.memory_space<hbm>>
      tpu.wait_dma2 semaphore(%run_scoped3A : memref<!tpu.dma_semaphore, #tpu.memory_space<semaphore_mem>>) src(%dma_wait3A_63 : memref<64x4xi32, #tpu.memory_space<hbm>>) dst(%arg8 : memref<64x4xi32, #tpu.memory_space<vmem>>)
      tpu.yield
    }) : () -> ()
    "tpu.region"() ({
      %run_scoped3A = tpu.sem_alloc : memref<!tpu.dma_semaphore, #tpu.memory_space<semaphore_mem>>
      %dma_start3A_48 = arith.constant 0 : i32
      %dma_start3A_49 = arith.constant 0 : i32
      %dma_start3A_50 = tpu.memref_slice %arg4[%add3A, %dma_start3A_48, %dma_start3A_49] : memref<32x64x4xi32, #tpu.memory_space<hbm>> -> memref<1x64x4xi32, #tpu.memory_space<hbm>>
      %dma_start3A_51 = tpu.memref_squeeze %dma_start3A_50 : memref<1x64x4xi32, #tpu.memory_space<hbm>> -> memref<64x4xi32, #tpu.memory_space<hbm>>
      %dma_start3A_52 = arith.constant 0 : i32
      %dma_start3A_53 = arith.constant 0 : i32
      %dma_start3A_54 = tpu.memref_slice %arg4[%add3A, %dma_start3A_52, %dma_start3A_53] : memref<32x64x4xi32, #tpu.memory_space<hbm>> -> memref<1x64x4xi32, #tpu.memory_space<hbm>>
      %dma_start3A_55 = tpu.memref_squeeze %dma_start3A_54 : memref<1x64x4xi32, #tpu.memory_space<hbm>> -> memref<64x4xi32, #tpu.memory_space<hbm>>
      tpu.enqueue_dma source(%dma_start3A_55 : memref<64x4xi32, #tpu.memory_space<hbm>>) target(%arg9 : memref<64x4xi32, #tpu.memory_space<vmem>>) target_semaphore(%run_scoped3A : memref<!tpu.dma_semaphore, #tpu.memory_space<semaphore_mem>>)
      %dma_wait3A_56 = arith.constant 0 : i32
      %dma_wait3A_57 = arith.constant 0 : i32
      %dma_wait3A_58 = tpu.memref_slice %arg4[%add3A, %dma_wait3A_56, %dma_wait3A_57] : memref<32x64x4xi32, #tpu.memory_space<hbm>> -> memref<1x64x4xi32, #tpu.memory_space<hbm>>
      %dma_wait3A_59 = tpu.memref_squeeze %dma_wait3A_58 : memref<1x64x4xi32, #tpu.memory_space<hbm>> -> memref<64x4xi32, #tpu.memory_space<hbm>>
      %dma_wait3A_60 = arith.constant 0 : i32
      %dma_wait3A_61 = arith.constant 0 : i32
      %dma_wait3A_62 = tpu.memref_slice %arg4[%add3A, %dma_wait3A_60, %dma_wait3A_61] : memref<32x64x4xi32, #tpu.memory_space<hbm>> -> memref<1x64x4xi32, #tpu.memory_space<hbm>>
      %dma_wait3A_63 = tpu.memref_squeeze %dma_wait3A_62 : memref<1x64x4xi32, #tpu.memory_space<hbm>> -> memref<64x4xi32, #tpu.memory_space<hbm>>
      tpu.wait_dma2 semaphore(%run_scoped3A : memref<!tpu.dma_semaphore, #tpu.memory_space<semaphore_mem>>) src(%dma_wait3A_63 : memref<64x4xi32, #tpu.memory_space<hbm>>) dst(%arg9 : memref<64x4xi32, #tpu.memory_space<vmem>>)
      tpu.yield
    }) : () -> ()
    %dma_start3A = arith.constant 0 : i32
    %dma_start3A_3 = arith.constant 0 : i32
    %dma_start3A_4 = tpu.memref_slice %arg8[%dma_start3A, %dma_start3A_3] : memref<64x4xi32, #tpu.memory_space<vmem>> -> memref<1x4xi32, #tpu.memory_space<vmem>>
    %dma_start3A_5 = tpu.memref_squeeze %dma_start3A_4 : memref<1x4xi32, #tpu.memory_space<vmem>> -> memref<4xi32, #tpu.memory_space<vmem>>
    %dma_start3A_6 = arith.constant 0 : i32
    %dma_start3A_7 = arith.constant 0 : i32
    %dma_start3A_8 = tpu.memref_slice %arg2[%dma_start3A_6, %dma_start3A_7] : memref<16384x4096xf32, #tpu.memory_space<hbm>> -> memref<16384x4096xf32, #tpu.memory_space<hbm>>
    tpu.enqueue_indirect_dma source(%dma_start3A_8 : memref<16384x4096xf32, #tpu.memory_space<hbm>>) target(%arg12 : memref<4x4096xf32, #tpu.memory_space<vmem>>) offsets(%dma_start3A_5 : memref<4xi32, #tpu.memory_space<vmem>>) semaphore(%arg18 : memref<!tpu.dma_semaphore, #tpu.memory_space<semaphore_mem>>)
    %dma_start3A_9 = arith.constant 0 : i32
    %dma_start3A_10 = arith.constant 0 : i32
    %dma_start3A_11 = tpu.memref_slice %arg9[%dma_start3A_9, %dma_start3A_10] : memref<64x4xi32, #tpu.memory_space<vmem>> -> memref<1x4xi32, #tpu.memory_space<vmem>>
    %dma_start3A_12 = tpu.memref_squeeze %dma_start3A_11 : memref<1x4xi32, #tpu.memory_space<vmem>> -> memref<4xi32, #tpu.memory_space<vmem>>
    %dma_start3A_13 = arith.constant 0 : i32
    %dma_start3A_14 = arith.constant 0 : i32
    %dma_start3A_15 = tpu.memref_slice %arg2[%dma_start3A_13, %dma_start3A_14] : memref<16384x4096xf32, #tpu.memory_space<hbm>> -> memref<16384x4096xf32, #tpu.memory_space<hbm>>
    tpu.enqueue_indirect_dma source(%dma_start3A_15 : memref<16384x4096xf32, #tpu.memory_space<hbm>>) target(%arg14 : memref<4x4096xf32, #tpu.memory_space<vmem>>) offsets(%dma_start3A_12 : memref<4xi32, #tpu.memory_space<vmem>>) semaphore(%arg18 : memref<!tpu.dma_semaphore, #tpu.memory_space<semaphore_mem>>)
    %dma_start3A_16 = arith.constant 1 : i32
    %dma_start3A_17 = arith.constant 0 : i32
    %dma_start3A_18 = tpu.memref_slice %arg8[%dma_start3A_16, %dma_start3A_17] : memref<64x4xi32, #tpu.memory_space<vmem>> -> memref<1x4xi32, #tpu.memory_space<vmem>>
    %dma_start3A_19 = tpu.memref_squeeze %dma_start3A_18 : memref<1x4xi32, #tpu.memory_space<vmem>> -> memref<4xi32, #tpu.memory_space<vmem>>
    %dma_start3A_20 = arith.constant 0 : i32
    %dma_start3A_21 = arith.constant 0 : i32
    %dma_start3A_22 = tpu.memref_slice %arg2[%dma_start3A_20, %dma_start3A_21] : memref<16384x4096xf32, #tpu.memory_space<hbm>> -> memref<16384x4096xf32, #tpu.memory_space<hbm>>
    tpu.enqueue_indirect_dma source(%dma_start3A_22 : memref<16384x4096xf32, #tpu.memory_space<hbm>>) target(%arg13 : memref<4x4096xf32, #tpu.memory_space<vmem>>) offsets(%dma_start3A_19 : memref<4xi32, #tpu.memory_space<vmem>>) semaphore(%arg19 : memref<!tpu.dma_semaphore, #tpu.memory_space<semaphore_mem>>)
    %dma_start3A_23 = arith.constant 1 : i32
    %dma_start3A_24 = arith.constant 0 : i32
    %dma_start3A_25 = tpu.memref_slice %arg9[%dma_start3A_23, %dma_start3A_24] : memref<64x4xi32, #tpu.memory_space<vmem>> -> memref<1x4xi32, #tpu.memory_space<vmem>>
    %dma_start3A_26 = tpu.memref_squeeze %dma_start3A_25 : memref<1x4xi32, #tpu.memory_space<vmem>> -> memref<4xi32, #tpu.memory_space<vmem>>
    %dma_start3A_27 = arith.constant 0 : i32
    %dma_start3A_28 = arith.constant 0 : i32
    %dma_start3A_29 = tpu.memref_slice %arg2[%dma_start3A_27, %dma_start3A_28] : memref<16384x4096xf32, #tpu.memory_space<hbm>> -> memref<16384x4096xf32, #tpu.memory_space<hbm>>
    tpu.enqueue_indirect_dma source(%dma_start3A_29 : memref<16384x4096xf32, #tpu.memory_space<hbm>>) target(%arg15 : memref<4x4096xf32, #tpu.memory_space<vmem>>) offsets(%dma_start3A_26 : memref<4xi32, #tpu.memory_space<vmem>>) semaphore(%arg19 : memref<!tpu.dma_semaphore, #tpu.memory_space<semaphore_mem>>)
    "tpu.region"() ({
      %run_scoped3A = tpu.sem_alloc : memref<!tpu.dma_semaphore, #tpu.memory_space<semaphore_mem>>
      %dma_start3A_48 = arith.constant 0 : i32
      %dma_start3A_49 = tpu.memref_slice %arg10[%dma_start3A_48] : memref<272xf32, #tpu.memory_space<vmem>> -> memref<256xf32, #tpu.memory_space<vmem>>
      %dma_start3A_50 = arith.constant 0 : i32
      %dma_start3A_51 = tpu.memref_slice %arg5[%add3A, %dma_start3A_50] : memref<32x256xf32, #tpu.memory_space<hbm>> -> memref<1x256xf32, #tpu.memory_space<hbm>>
      %dma_start3A_52 = tpu.memref_squeeze %dma_start3A_51 : memref<1x256xf32, #tpu.memory_space<hbm>> -> memref<256xf32, #tpu.memory_space<hbm>>
      %dma_start3A_53 = arith.constant 0 : i32
      %dma_start3A_54 = tpu.memref_slice %arg10[%dma_start3A_53] : memref<272xf32, #tpu.memory_space<vmem>> -> memref<256xf32, #tpu.memory_space<vmem>>
      %dma_start3A_55 = arith.constant 0 : i32
      %dma_start3A_56 = tpu.memref_slice %arg5[%add3A, %dma_start3A_55] : memref<32x256xf32, #tpu.memory_space<hbm>> -> memref<1x256xf32, #tpu.memory_space<hbm>>
      %dma_start3A_57 = tpu.memref_squeeze %dma_start3A_56 : memref<1x256xf32, #tpu.memory_space<hbm>> -> memref<256xf32, #tpu.memory_space<hbm>>
      tpu.enqueue_dma source(%dma_start3A_57 : memref<256xf32, #tpu.memory_space<hbm>>) target(%dma_start3A_54 : memref<256xf32, #tpu.memory_space<vmem>>) target_semaphore(%run_scoped3A : memref<!tpu.dma_semaphore, #tpu.memory_space<semaphore_mem>>)
      %dma_wait3A_58 = arith.constant 0 : i32
      %dma_wait3A_59 = tpu.memref_slice %arg10[%dma_wait3A_58] : memref<272xf32, #tpu.memory_space<vmem>> -> memref<256xf32, #tpu.memory_space<vmem>>
      %dma_wait3A_60 = arith.constant 0 : i32
      %dma_wait3A_61 = tpu.memref_slice %arg5[%add3A, %dma_wait3A_60] : memref<32x256xf32, #tpu.memory_space<hbm>> -> memref<1x256xf32, #tpu.memory_space<hbm>>
      %dma_wait3A_62 = tpu.memref_squeeze %dma_wait3A_61 : memref<1x256xf32, #tpu.memory_space<hbm>> -> memref<256xf32, #tpu.memory_space<hbm>>
      %dma_wait3A_63 = arith.constant 0 : i32
      %dma_wait3A_64 = tpu.memref_slice %arg10[%dma_wait3A_63] : memref<272xf32, #tpu.memory_space<vmem>> -> memref<256xf32, #tpu.memory_space<vmem>>
      %dma_wait3A_65 = arith.constant 0 : i32
      %dma_wait3A_66 = tpu.memref_slice %arg5[%add3A, %dma_wait3A_65] : memref<32x256xf32, #tpu.memory_space<hbm>> -> memref<1x256xf32, #tpu.memory_space<hbm>>
      %dma_wait3A_67 = tpu.memref_squeeze %dma_wait3A_66 : memref<1x256xf32, #tpu.memory_space<hbm>> -> memref<256xf32, #tpu.memory_space<hbm>>
      tpu.wait_dma2 semaphore(%run_scoped3A : memref<!tpu.dma_semaphore, #tpu.memory_space<semaphore_mem>>) src(%dma_wait3A_67 : memref<256xf32, #tpu.memory_space<hbm>>) dst(%dma_wait3A_64 : memref<256xf32, #tpu.memory_space<vmem>>)
      tpu.yield
    }) : () -> ()
    "tpu.region"() ({
      %run_scoped3A = tpu.sem_alloc : memref<!tpu.dma_semaphore, #tpu.memory_space<semaphore_mem>>
      %dma_start3A_48 = arith.constant 0 : i32
      %dma_start3A_49 = tpu.memref_slice %arg11[%dma_start3A_48] : memref<272xf32, #tpu.memory_space<vmem>> -> memref<256xf32, #tpu.memory_space<vmem>>
      %dma_start3A_50 = arith.constant 0 : i32
      %dma_start3A_51 = tpu.memref_slice %arg6[%add3A, %dma_start3A_50] : memref<32x256xf32, #tpu.memory_space<hbm>> -> memref<1x256xf32, #tpu.memory_space<hbm>>
      %dma_start3A_52 = tpu.memref_squeeze %dma_start3A_51 : memref<1x256xf32, #tpu.memory_space<hbm>> -> memref<256xf32, #tpu.memory_space<hbm>>
      %dma_start3A_53 = arith.constant 0 : i32
      %dma_start3A_54 = tpu.memref_slice %arg11[%dma_start3A_53] : memref<272xf32, #tpu.memory_space<vmem>> -> memref<256xf32, #tpu.memory_space<vmem>>
      %dma_start3A_55 = arith.constant 0 : i32
      %dma_start3A_56 = tpu.memref_slice %arg6[%add3A, %dma_start3A_55] : memref<32x256xf32, #tpu.memory_space<hbm>> -> memref<1x256xf32, #tpu.memory_space<hbm>>
      %dma_start3A_57 = tpu.memref_squeeze %dma_start3A_56 : memref<1x256xf32, #tpu.memory_space<hbm>> -> memref<256xf32, #tpu.memory_space<hbm>>
      tpu.enqueue_dma source(%dma_start3A_57 : memref<256xf32, #tpu.memory_space<hbm>>) target(%dma_start3A_54 : memref<256xf32, #tpu.memory_space<vmem>>) target_semaphore(%run_scoped3A : memref<!tpu.dma_semaphore, #tpu.memory_space<semaphore_mem>>)
      %dma_wait3A_58 = arith.constant 0 : i32
      %dma_wait3A_59 = tpu.memref_slice %arg11[%dma_wait3A_58] : memref<272xf32, #tpu.memory_space<vmem>> -> memref<256xf32, #tpu.memory_space<vmem>>
      %dma_wait3A_60 = arith.constant 0 : i32
      %dma_wait3A_61 = tpu.memref_slice %arg6[%add3A, %dma_wait3A_60] : memref<32x256xf32, #tpu.memory_space<hbm>> -> memref<1x256xf32, #tpu.memory_space<hbm>>
      %dma_wait3A_62 = tpu.memref_squeeze %dma_wait3A_61 : memref<1x256xf32, #tpu.memory_space<hbm>> -> memref<256xf32, #tpu.memory_space<hbm>>
      %dma_wait3A_63 = arith.constant 0 : i32
      %dma_wait3A_64 = tpu.memref_slice %arg11[%dma_wait3A_63] : memref<272xf32, #tpu.memory_space<vmem>> -> memref<256xf32, #tpu.memory_space<vmem>>
      %dma_wait3A_65 = arith.constant 0 : i32
      %dma_wait3A_66 = tpu.memref_slice %arg6[%add3A, %dma_wait3A_65] : memref<32x256xf32, #tpu.memory_space<hbm>> -> memref<1x256xf32, #tpu.memory_space<hbm>>
      %dma_wait3A_67 = tpu.memref_squeeze %dma_wait3A_66 : memref<1x256xf32, #tpu.memory_space<hbm>> -> memref<256xf32, #tpu.memory_space<hbm>>
      tpu.wait_dma2 semaphore(%run_scoped3A : memref<!tpu.dma_semaphore, #tpu.memory_space<semaphore_mem>>) src(%dma_wait3A_67 : memref<256xf32, #tpu.memory_space<hbm>>) dst(%dma_wait3A_64 : memref<256xf32, #tpu.memory_space<vmem>>)
      tpu.yield
    }) : () -> ()
    %scan3A = arith.constant 0 : i32
    %scan3A_30 = arith.constant 0 : i32
    %scan3A_31 = arith.constant 16 : i32
    %scan3A_32 = arith.addi %scan3A_30, %scan3A_31 : i32
    %scan3A_33 = arith.constant 1 : i32
    scf.for %scan3A_48 = %scan3A_30 to %scan3A_32 step %scan3A_33  : i32 {
      %mul3A_49 = arith.constant 16 : i32
      %mul3A_50 = arith.muli %scan3A_48, %mul3A_49 : i32
      %get3A = arith.index_cast %mul3A_50 : i32 to index
      %get3A_51 = tpu.vector_load %arg10[%get3A] {strides = array<i32>} : memref<272xf32, #tpu.memory_space<vmem>>, vector<16xf32>,
      %get3A_52 = vector.shape_cast %get3A_51 : vector<16xf32> to vector<16xf32>
      %get3A_53 = arith.index_cast %mul3A_50 : i32 to index
      %get3A_54 = tpu.vector_load %arg11[%get3A_53] {strides = array<i32>} : memref<272xf32, #tpu.memory_space<vmem>>, vector<16xf32>,
      %get3A_55 = vector.shape_cast %get3A_54 : vector<16xf32> to vector<16xf32>
      %add3A_56 = arith.addf %get3A_52, %get3A_55 : vector<16xf32>
      %div3A = arith.divf %get3A_52, %add3A_56 : vector<16xf32>
      %swap3A = arith.index_cast %mul3A_50 : i32 to index
      %swap3A_57 = tpu.vector_load %arg10[%swap3A] {strides = array<i32>} : memref<272xf32, #tpu.memory_space<vmem>>, vector<16xf32>,
      %swap3A_58 = vector.shape_cast %swap3A_57 : vector<16xf32> to vector<16xf32>
      %swap3A_59 = vector.shape_cast %div3A : vector<16xf32> to vector<16xf32>
      tpu.vector_store %arg10[%swap3A], %swap3A_59 {strides = array<i32>} : memref<272xf32, #tpu.memory_space<vmem>>, vector<16xf32>,
      %div3A_60 = arith.divf %get3A_55, %add3A_56 : vector<16xf32>
      %swap3A_61 = arith.index_cast %mul3A_50 : i32 to index
      %swap3A_62 = tpu.vector_load %arg11[%swap3A_61] {strides = array<i32>} : memref<272xf32, #tpu.memory_space<vmem>>, vector<16xf32>,
      %swap3A_63 = vector.shape_cast %swap3A_62 : vector<16xf32> to vector<16xf32>
      %swap3A_64 = vector.shape_cast %div3A_60 : vector<16xf32> to vector<16xf32>
      tpu.vector_store %arg11[%swap3A_61], %swap3A_64 {strides = array<i32>} : memref<272xf32, #tpu.memory_space<vmem>>, vector<16xf32>,
    }
    %scan3A_34 = arith.constant 16 : i32
    %scan3A_35 = arith.constant 0 : i32
    %scan3A_36 = arith.constant 0 : i32
    %scan3A_37 = arith.constant 32 : i32
    %scan3A_38 = arith.addi %scan3A_36, %scan3A_37 : i32
    %scan3A_39 = arith.constant 1 : i32
    scf.for %scan3A_48 = %scan3A_36 to %scan3A_38 step %scan3A_39  : i32 {
      %mul3A_49 = arith.constant 2 : i32
      %mul3A_50 = arith.muli %scan3A_48, %mul3A_49 : i32
      %add3A_51 = arith.constant 0 : i32
      %add3A_52 = arith.addi %mul3A_50, %add3A_51 : i32
      %ge3A = arith.constant 1 : i32
      %ge3A_53 = arith.cmpi sge, %scan3A_48, %ge3A : i32
      %convert_element_type3A = arith.extui %ge3A_53 : i1 to i32
      %cond3A = arith.constant 0 : i32
      %cond3A_54 = arith.cmpi ne, %convert_element_type3A, %cond3A : i32
      scf.if %cond3A_54 {
        %add3A_193 = arith.constant 1 : i32
        %add3A_194 = arith.addi %add3A_52, %add3A_193 : i32
        %dma_start3A_195 = arith.constant 0 : i32
        %dma_start3A_196 = tpu.memref_slice %arg8[%add3A_194, %dma_start3A_195] : memref<64x4xi32, #tpu.memory_space<vmem>> -> memref<1x4xi32, #tpu.memory_space<vmem>>
        %dma_start3A_197 = tpu.memref_squeeze %dma_start3A_196 : memref<1x4xi32, #tpu.memory_space<vmem>> -> memref<4xi32, #tpu.memory_space<vmem>>
        %dma_start3A_198 = arith.constant 0 : i32
        %dma_start3A_199 = arith.constant 0 : i32
        %dma_start3A_200 = tpu.memref_slice %arg2[%dma_start3A_198, %dma_start3A_199] : memref<16384x4096xf32, #tpu.memory_space<hbm>> -> memref<16384x4096xf32, #tpu.memory_space<hbm>>
        tpu.enqueue_indirect_dma source(%dma_start3A_200 : memref<16384x4096xf32, #tpu.memory_space<hbm>>) target(%arg13 : memref<4x4096xf32, #tpu.memory_space<vmem>>) offsets(%dma_start3A_197 : memref<4xi32, #tpu.memory_space<vmem>>) semaphore(%arg19 : memref<!tpu.dma_semaphore, #tpu.memory_space<semaphore_mem>>)
        %dma_start3A_201 = arith.constant 0 : i32
        %dma_start3A_202 = tpu.memref_slice %arg9[%add3A_194, %dma_start3A_201] : memref<64x4xi32, #tpu.memory_space<vmem>> -> memref<1x4xi32, #tpu.memory_space<vmem>>
        %dma_start3A_203 = tpu.memref_squeeze %dma_start3A_202 : memref<1x4xi32, #tpu.memory_space<vmem>> -> memref<4xi32, #tpu.memory_space<vmem>>
        %dma_start3A_204 = arith.constant 0 : i32
        %dma_start3A_205 = arith.constant 0 : i32
        %dma_start3A_206 = tpu.memref_slice %arg2[%dma_start3A_204, %dma_start3A_205] : memref<16384x4096xf32, #tpu.memory_space<hbm>> -> memref<16384x4096xf32, #tpu.memory_space<hbm>>
        tpu.enqueue_indirect_dma source(%dma_start3A_206 : memref<16384x4096xf32, #tpu.memory_space<hbm>>) target(%arg15 : memref<4x4096xf32, #tpu.memory_space<vmem>>) offsets(%dma_start3A_203 : memref<4xi32, #tpu.memory_space<vmem>>) semaphore(%arg19 : memref<!tpu.dma_semaphore, #tpu.memory_space<semaphore_mem>>)
      } else {
      }
      %dma_wait3A_55 = arith.constant 0 : i32
      %dma_wait3A_56 = arith.constant 0 : i32
      %dma_wait3A_57 = tpu.memref_slice %arg8[%dma_wait3A_55, %dma_wait3A_56] : memref<64x4xi32, #tpu.memory_space<vmem>> -> memref<1x4xi32, #tpu.memory_space<vmem>>
      %dma_wait3A_58 = tpu.memref_squeeze %dma_wait3A_57 : memref<1x4xi32, #tpu.memory_space<vmem>> -> memref<4xi32, #tpu.memory_space<vmem>>
      %dma_wait3A_59 = arith.constant 0 : i32
      %dma_wait3A_60 = arith.constant 0 : i32
      %dma_wait3A_61 = tpu.memref_slice %arg2[%dma_wait3A_59, %dma_wait3A_60] : memref<16384x4096xf32, #tpu.memory_space<hbm>> -> memref<16384x4096xf32, #tpu.memory_space<hbm>>
      tpu.wait_indirect_dma semaphore(%arg18 : memref<!tpu.dma_semaphore, #tpu.memory_space<semaphore_mem>>) src(%dma_wait3A_61 : memref<16384x4096xf32, #tpu.memory_space<hbm>>) dst(%arg12 : memref<4x4096xf32, #tpu.memory_space<vmem>>)
      %dma_wait3A_62 = arith.constant 0 : i32
      %dma_wait3A_63 = arith.constant 0 : i32
      %dma_wait3A_64 = tpu.memref_slice %arg9[%dma_wait3A_62, %dma_wait3A_63] : memref<64x4xi32, #tpu.memory_space<vmem>> -> memref<1x4xi32, #tpu.memory_space<vmem>>
      %dma_wait3A_65 = tpu.memref_squeeze %dma_wait3A_64 : memref<1x4xi32, #tpu.memory_space<vmem>> -> memref<4xi32, #tpu.memory_space<vmem>>
      %dma_wait3A_66 = arith.constant 0 : i32
      %dma_wait3A_67 = arith.constant 0 : i32
      %dma_wait3A_68 = tpu.memref_slice %arg2[%dma_wait3A_66, %dma_wait3A_67] : memref<16384x4096xf32, #tpu.memory_space<hbm>> -> memref<16384x4096xf32, #tpu.memory_space<hbm>>
      tpu.wait_indirect_dma semaphore(%arg18 : memref<!tpu.dma_semaphore, #tpu.memory_space<semaphore_mem>>) src(%dma_wait3A_68 : memref<16384x4096xf32, #tpu.memory_space<hbm>>) dst(%arg14 : memref<4x4096xf32, #tpu.memory_space<vmem>>)
      %ge3A_69 = arith.constant 1 : i32
      %ge3A_70 = arith.cmpi sge, %scan3A_48, %ge3A_69 : i32
      %convert_element_type3A_71 = arith.extui %ge3A_70 : i1 to i32
      %cond3A_72 = arith.constant 0 : i32
      %cond3A_73 = arith.cmpi ne, %convert_element_type3A_71, %cond3A_72 : i32
      scf.if %cond3A_73 {
        %dma_wait3A_193 = arith.constant 0 : i32
        %dma_wait3A_194 = tpu.memref_slice %arg7[%mul3A_2, %dma_wait3A_193] : memref<8192x4096xf32, #tpu.memory_space<hbm>> -> memref<4x4096xf32, #tpu.memory_space<hbm>>
        %dma_wait3A_195 = arith.constant 0 : i32
        %dma_wait3A_196 = tpu.memref_slice %arg7[%mul3A_2, %dma_wait3A_195] : memref<8192x4096xf32, #tpu.memory_space<hbm>> -> memref<4x4096xf32, #tpu.memory_space<hbm>>
        tpu.wait_dma2 semaphore(%arg20 : memref<!tpu.dma_semaphore, #tpu.memory_space<semaphore_mem>>) src(%arg16 : memref<4x4096xf32, #tpu.memory_space<vmem>>) dst(%dma_wait3A_196 : memref<4x4096xf32, #tpu.memory_space<hbm>>)
      } else {
      }
      %mul3A_74 = arith.constant 4 : i32
      %mul3A_75 = arith.muli %add3A_52, %mul3A_74 : i32
      %get3A = arith.index_cast %mul3A_75 : i32 to index
      %get3A_76 = tpu.vector_load %arg10[%get3A] {strides = array<i32>} : memref<272xf32, #tpu.memory_space<vmem>>, vector<16xf32>,
      %get3A_77 = vector.shape_cast %get3A_76 : vector<16xf32> to vector<16xf32>
      %mul3A_78 = arith.constant 4 : i32
      %mul3A_79 = arith.muli %add3A_52, %mul3A_78 : i32
      %get3A_80 = arith.index_cast %mul3A_79 : i32 to index
      %get3A_81 = tpu.vector_load %arg11[%get3A_80] {strides = array<i32>} : memref<272xf32, #tpu.memory_space<vmem>>, vector<16xf32>,
      %get3A_82 = vector.shape_cast %get3A_81 : vector<16xf32> to vector<16xf32>
      %slice3A = vector.extract_strided_slice %get3A_77 {offsets = [0], sizes = [1], strides = [1]} : vector<16xf32> to vector<1xf32>
      %squeeze3A = vector.extract %slice3A[0] : f32 from vector<1xf32>
      %broadcast_in_dim3A = vector.broadcast %squeeze3A : f32 to vector<16xf32>
      %slice3A_83 = vector.extract_strided_slice %get3A_77 {offsets = [1], sizes = [1], strides = [1]} : vector<16xf32> to vector<1xf32>
      %squeeze3A_84 = vector.extract %slice3A_83[0] : f32 from vector<1xf32>
      %broadcast_in_dim3A_85 = vector.broadcast %squeeze3A_84 : f32 to vector<16xf32>
      %slice3A_86 = vector.extract_strided_slice %get3A_77 {offsets = [2], sizes = [1], strides = [1]} : vector<16xf32> to vector<1xf32>
      %squeeze3A_87 = vector.extract %slice3A_86[0] : f32 from vector<1xf32>
      %broadcast_in_dim3A_88 = vector.broadcast %squeeze3A_87 : f32 to vector<16xf32>
      %slice3A_89 = vector.extract_strided_slice %get3A_77 {offsets = [3], sizes = [1], strides = [1]} : vector<16xf32> to vector<1xf32>
      %squeeze3A_90 = vector.extract %slice3A_89[0] : f32 from vector<1xf32>
      %broadcast_in_dim3A_91 = vector.broadcast %squeeze3A_90 : f32 to vector<16xf32>
      %slice3A_92 = vector.extract_strided_slice %get3A_82 {offsets = [0], sizes = [1], strides = [1]} : vector<16xf32> to vector<1xf32>
      %squeeze3A_93 = vector.extract %slice3A_92[0] : f32 from vector<1xf32>
      %broadcast_in_dim3A_94 = vector.broadcast %squeeze3A_93 : f32 to vector<16xf32>
      %slice3A_95 = vector.extract_strided_slice %get3A_82 {offsets = [1], sizes = [1], strides = [1]} : vector<16xf32> to vector<1xf32>
      %squeeze3A_96 = vector.extract %slice3A_95[0] : f32 from vector<1xf32>
      %broadcast_in_dim3A_97 = vector.broadcast %squeeze3A_96 : f32 to vector<16xf32>
      %slice3A_98 = vector.extract_strided_slice %get3A_82 {offsets = [2], sizes = [1], strides = [1]} : vector<16xf32> to vector<1xf32>
      %squeeze3A_99 = vector.extract %slice3A_98[0] : f32 from vector<1xf32>
      %broadcast_in_dim3A_100 = vector.broadcast %squeeze3A_99 : f32 to vector<16xf32>
      %slice3A_101 = vector.extract_strided_slice %get3A_82 {offsets = [3], sizes = [1], strides = [1]} : vector<16xf32> to vector<1xf32>
      %squeeze3A_102 = vector.extract %slice3A_101[0] : f32 from vector<1xf32>
      %broadcast_in_dim3A_103 = vector.broadcast %squeeze3A_102 : f32 to vector<16xf32>
      %scan3A_104 = arith.constant 0 : i32
      %scan3A_105 = arith.constant 0 : i32
      %scan3A_106 = arith.constant 256 : i32
      %scan3A_107 = arith.addi %scan3A_105, %scan3A_106 : i32
      %scan3A_108 = arith.constant 2 : i32
      scf.for %scan3A_193 = %scan3A_105 to %scan3A_107 step %scan3A_108  : i32 {
        %mul3A_194 = arith.constant 16 : i32
        %mul3A_195 = arith.muli %scan3A_193, %mul3A_194 : i32
        %get3A_196 = arith.constant 0 : i32
        %get3A_197 = arith.index_cast %get3A_196 : i32 to index
        %get3A_198 = arith.index_cast %mul3A_195 : i32 to index
        %get3A_199 = tpu.vector_load %arg12[%get3A_197, %get3A_198] {strides = array<i32>} : memref<4x4096xf32, #tpu.memory_space<vmem>>, vector<1x16xf32>,
        %get3A_200 = vector.shape_cast %get3A_199 : vector<1x16xf32> to vector<16xf32>
        %mul3A_201 = arith.mulf %get3A_200, %broadcast_in_dim3A : vector<16xf32>
        %get3A_202 = arith.constant 0 : i32
        %get3A_203 = arith.index_cast %get3A_202 : i32 to index
        %get3A_204 = arith.index_cast %mul3A_195 : i32 to index
        %get3A_205 = tpu.vector_load %arg14[%get3A_203, %get3A_204] {strides = array<i32>} : memref<4x4096xf32, #tpu.memory_space<vmem>>, vector<1x16xf32>,
        %get3A_206 = vector.shape_cast %get3A_205 : vector<1x16xf32> to vector<16xf32>
        %mul3A_207 = arith.mulf %get3A_206, %broadcast_in_dim3A_94 : vector<16xf32>
        %add3A_208 = arith.addf %mul3A_201, %mul3A_207 : vector<16xf32>
        %swap3A = arith.constant 0 : i32
        %swap3A_209 = arith.index_cast %swap3A : i32 to index
        %swap3A_210 = arith.index_cast %mul3A_195 : i32 to index
        %swap3A_211 = tpu.vector_load %arg16[%swap3A_209, %swap3A_210] {strides = array<i32>} : memref<4x4096xf32, #tpu.memory_space<vmem>>, vector<1x16xf32>,
        %swap3A_212 = vector.shape_cast %swap3A_211 : vector<1x16xf32> to vector<16xf32>
        %swap3A_213 = vector.shape_cast %add3A_208 : vector<16xf32> to vector<1x16xf32>
        tpu.vector_store %arg16[%swap3A_209, %swap3A_210], %swap3A_213 {strides = array<i32>} : memref<4x4096xf32, #tpu.memory_space<vmem>>, vector<1x16xf32>,
        %get3A_214 = arith.constant 1 : i32
        %get3A_215 = arith.index_cast %get3A_214 : i32 to index
        %get3A_216 = arith.index_cast %mul3A_195 : i32 to index
        %get3A_217 = tpu.vector_load %arg12[%get3A_215, %get3A_216] {strides = array<i32>} : memref<4x4096xf32, #tpu.memory_space<vmem>>, vector<1x16xf32>,
        %get3A_218 = vector.shape_cast %get3A_217 : vector<1x16xf32> to vector<16xf32>
        %mul3A_219 = arith.mulf %get3A_218, %broadcast_in_dim3A_85 : vector<16xf32>
        %get3A_220 = arith.constant 1 : i32
        %get3A_221 = arith.index_cast %get3A_220 : i32 to index
        %get3A_222 = arith.index_cast %mul3A_195 : i32 to index
        %get3A_223 = tpu.vector_load %arg14[%get3A_221, %get3A_222] {strides = array<i32>} : memref<4x4096xf32, #tpu.memory_space<vmem>>, vector<1x16xf32>,
        %get3A_224 = vector.shape_cast %get3A_223 : vector<1x16xf32> to vector<16xf32>
        %mul3A_225 = arith.mulf %get3A_224, %broadcast_in_dim3A_97 : vector<16xf32>
        %add3A_226 = arith.addf %mul3A_219, %mul3A_225 : vector<16xf32>
        %swap3A_227 = arith.constant 1 : i32
        %swap3A_228 = arith.index_cast %swap3A_227 : i32 to index
        %swap3A_229 = arith.index_cast %mul3A_195 : i32 to index
        %swap3A_230 = tpu.vector_load %arg16[%swap3A_228, %swap3A_229] {strides = array<i32>} : memref<4x4096xf32, #tpu.memory_space<vmem>>, vector<1x16xf32>,
        %swap3A_231 = vector.shape_cast %swap3A_230 : vector<1x16xf32> to vector<16xf32>
        %swap3A_232 = vector.shape_cast %add3A_226 : vector<16xf32> to vector<1x16xf32>
        tpu.vector_store %arg16[%swap3A_228, %swap3A_229], %swap3A_232 {strides = array<i32>} : memref<4x4096xf32, #tpu.memory_space<vmem>>, vector<1x16xf32>,
        %get3A_233 = arith.constant 2 : i32
        %get3A_234 = arith.index_cast %get3A_233 : i32 to index
        %get3A_235 = arith.index_cast %mul3A_195 : i32 to index
        %get3A_236 = tpu.vector_load %arg12[%get3A_234, %get3A_235] {strides = array<i32>} : memref<4x4096xf32, #tpu.memory_space<vmem>>, vector<1x16xf32>,
        %get3A_237 = vector.shape_cast %get3A_236 : vector<1x16xf32> to vector<16xf32>
        %mul3A_238 = arith.mulf %get3A_237, %broadcast_in_dim3A_88 : vector<16xf32>
        %get3A_239 = arith.constant 2 : i32
        %get3A_240 = arith.index_cast %get3A_239 : i32 to index
        %get3A_241 = arith.index_cast %mul3A_195 : i32 to index
        %get3A_242 = tpu.vector_load %arg14[%get3A_240, %get3A_241] {strides = array<i32>} : memref<4x4096xf32, #tpu.memory_space<vmem>>, vector<1x16xf32>,
        %get3A_243 = vector.shape_cast %get3A_242 : vector<1x16xf32> to vector<16xf32>
        %mul3A_244 = arith.mulf %get3A_243, %broadcast_in_dim3A_100 : vector<16xf32>
        %add3A_245 = arith.addf %mul3A_238, %mul3A_244 : vector<16xf32>
        %swap3A_246 = arith.constant 2 : i32
        %swap3A_247 = arith.index_cast %swap3A_246 : i32 to index
        %swap3A_248 = arith.index_cast %mul3A_195 : i32 to index
        %swap3A_249 = tpu.vector_load %arg16[%swap3A_247, %swap3A_248] {strides = array<i32>} : memref<4x4096xf32, #tpu.memory_space<vmem>>, vector<1x16xf32>,
        %swap3A_250 = vector.shape_cast %swap3A_249 : vector<1x16xf32> to vector<16xf32>
        %swap3A_251 = vector.shape_cast %add3A_245 : vector<16xf32> to vector<1x16xf32>
        tpu.vector_store %arg16[%swap3A_247, %swap3A_248], %swap3A_251 {strides = array<i32>} : memref<4x4096xf32, #tpu.memory_space<vmem>>, vector<1x16xf32>,
        %get3A_252 = arith.constant 3 : i32
        %get3A_253 = arith.index_cast %get3A_252 : i32 to index
        %get3A_254 = arith.index_cast %mul3A_195 : i32 to index
        %get3A_255 = tpu.vector_load %arg12[%get3A_253, %get3A_254] {strides = array<i32>} : memref<4x4096xf32, #tpu.memory_space<vmem>>, vector<1x16xf32>,
        %get3A_256 = vector.shape_cast %get3A_255 : vector<1x16xf32> to vector<16xf32>
        %mul3A_257 = arith.mulf %get3A_256, %broadcast_in_dim3A_91 : vector<16xf32>
        %get3A_258 = arith.constant 3 : i32
        %get3A_259 = arith.index_cast %get3A_258 : i32 to index
        %get3A_260 = arith.index_cast %mul3A_195 : i32 to index
        %get3A_261 = tpu.vector_load %arg14[%get3A_259, %get3A_260] {strides = array<i32>} : memref<4x4096xf32, #tpu.memory_space<vmem>>, vector<1x16xf32>,
        %get3A_262 = vector.shape_cast %get3A_261 : vector<1x16xf32> to vector<16xf32>
        %mul3A_263 = arith.mulf %get3A_262, %broadcast_in_dim3A_103 : vector<16xf32>
        %add3A_264 = arith.addf %mul3A_257, %mul3A_263 : vector<16xf32>
        %swap3A_265 = arith.constant 3 : i32
        %swap3A_266 = arith.index_cast %swap3A_265 : i32 to index
        %swap3A_267 = arith.index_cast %mul3A_195 : i32 to index
        %swap3A_268 = tpu.vector_load %arg16[%swap3A_266, %swap3A_267] {strides = array<i32>} : memref<4x4096xf32, #tpu.memory_space<vmem>>, vector<1x16xf32>,
        %swap3A_269 = vector.shape_cast %swap3A_268 : vector<1x16xf32> to vector<16xf32>
        %swap3A_270 = vector.shape_cast %add3A_264 : vector<16xf32> to vector<1x16xf32>
        tpu.vector_store %arg16[%swap3A_266, %swap3A_267], %swap3A_270 {strides = array<i32>} : memref<4x4096xf32, #tpu.memory_space<vmem>>, vector<1x16xf32>,
        %scan3A_271 = arith.constant 1 : i32
        %scan3A_272 = arith.addi %scan3A_193, %scan3A_271 : i32
        %mul3A_273 = arith.constant 16 : i32
        %mul3A_274 = arith.muli %scan3A_272, %mul3A_273 : i32
        %get3A_275 = arith.constant 0 : i32
        %get3A_276 = arith.index_cast %get3A_275 : i32 to index
        %get3A_277 = arith.index_cast %mul3A_274 : i32 to index
        %get3A_278 = tpu.vector_load %arg12[%get3A_276, %get3A_277] {strides = array<i32>} : memref<4x4096xf32, #tpu.memory_space<vmem>>, vector<1x16xf32>,
        %get3A_279 = vector.shape_cast %get3A_278 : vector<1x16xf32> to vector<16xf32>
        %mul3A_280 = arith.mulf %get3A_279, %broadcast_in_dim3A : vector<16xf32>
        %get3A_281 = arith.constant 0 : i32
        %get3A_282 = arith.index_cast %get3A_281 : i32 to index
        %get3A_283 = arith.index_cast %mul3A_274 : i32 to index
        %get3A_284 = tpu.vector_load %arg14[%get3A_282, %get3A_283] {strides = array<i32>} : memref<4x4096xf32, #tpu.memory_space<vmem>>, vector<1x16xf32>,
        %get3A_285 = vector.shape_cast %get3A_284 : vector<1x16xf32> to vector<16xf32>
        %mul3A_286 = arith.mulf %get3A_285, %broadcast_in_dim3A_94 : vector<16xf32>
        %add3A_287 = arith.addf %mul3A_280, %mul3A_286 : vector<16xf32>
        %swap3A_288 = arith.constant 0 : i32
        %swap3A_289 = arith.index_cast %swap3A_288 : i32 to index
        %swap3A_290 = arith.index_cast %mul3A_274 : i32 to index
        %swap3A_291 = tpu.vector_load %arg16[%swap3A_289, %swap3A_290] {strides = array<i32>} : memref<4x4096xf32, #tpu.memory_space<vmem>>, vector<1x16xf32>,
        %swap3A_292 = vector.shape_cast %swap3A_291 : vector<1x16xf32> to vector<16xf32>
        %swap3A_293 = vector.shape_cast %add3A_287 : vector<16xf32> to vector<1x16xf32>
        tpu.vector_store %arg16[%swap3A_289, %swap3A_290], %swap3A_293 {strides = array<i32>} : memref<4x4096xf32, #tpu.memory_space<vmem>>, vector<1x16xf32>,
        %get3A_294 = arith.constant 1 : i32
        %get3A_295 = arith.index_cast %get3A_294 : i32 to index
        %get3A_296 = arith.index_cast %mul3A_274 : i32 to index
        %get3A_297 = tpu.vector_load %arg12[%get3A_295, %get3A_296] {strides = array<i32>} : memref<4x4096xf32, #tpu.memory_space<vmem>>, vector<1x16xf32>,
        %get3A_298 = vector.shape_cast %get3A_297 : vector<1x16xf32> to vector<16xf32>
        %mul3A_299 = arith.mulf %get3A_298, %broadcast_in_dim3A_85 : vector<16xf32>
        %get3A_300 = arith.constant 1 : i32
        %get3A_301 = arith.index_cast %get3A_300 : i32 to index
        %get3A_302 = arith.index_cast %mul3A_274 : i32 to index
        %get3A_303 = tpu.vector_load %arg14[%get3A_301, %get3A_302] {strides = array<i32>} : memref<4x4096xf32, #tpu.memory_space<vmem>>, vector<1x16xf32>,
        %get3A_304 = vector.shape_cast %get3A_303 : vector<1x16xf32> to vector<16xf32>
        %mul3A_305 = arith.mulf %get3A_304, %broadcast_in_dim3A_97 : vector<16xf32>
        %add3A_306 = arith.addf %mul3A_299, %mul3A_305 : vector<16xf32>
        %swap3A_307 = arith.constant 1 : i32
        %swap3A_308 = arith.index_cast %swap3A_307 : i32 to index
        %swap3A_309 = arith.index_cast %mul3A_274 : i32 to index
        %swap3A_310 = tpu.vector_load %arg16[%swap3A_308, %swap3A_309] {strides = array<i32>} : memref<4x4096xf32, #tpu.memory_space<vmem>>, vector<1x16xf32>,
        %swap3A_311 = vector.shape_cast %swap3A_310 : vector<1x16xf32> to vector<16xf32>
        %swap3A_312 = vector.shape_cast %add3A_306 : vector<16xf32> to vector<1x16xf32>
        tpu.vector_store %arg16[%swap3A_308, %swap3A_309], %swap3A_312 {strides = array<i32>} : memref<4x4096xf32, #tpu.memory_space<vmem>>, vector<1x16xf32>,
        %get3A_313 = arith.constant 2 : i32
        %get3A_314 = arith.index_cast %get3A_313 : i32 to index
        %get3A_315 = arith.index_cast %mul3A_274 : i32 to index
        %get3A_316 = tpu.vector_load %arg12[%get3A_314, %get3A_315] {strides = array<i32>} : memref<4x4096xf32, #tpu.memory_space<vmem>>, vector<1x16xf32>,
        %get3A_317 = vector.shape_cast %get3A_316 : vector<1x16xf32> to vector<16xf32>
        %mul3A_318 = arith.mulf %get3A_317, %broadcast_in_dim3A_88 : vector<16xf32>
        %get3A_319 = arith.constant 2 : i32
        %get3A_320 = arith.index_cast %get3A_319 : i32 to index
        %get3A_321 = arith.index_cast %mul3A_274 : i32 to index
        %get3A_322 = tpu.vector_load %arg14[%get3A_320, %get3A_321] {strides = array<i32>} : memref<4x4096xf32, #tpu.memory_space<vmem>>, vector<1x16xf32>,
        %get3A_323 = vector.shape_cast %get3A_322 : vector<1x16xf32> to vector<16xf32>
        %mul3A_324 = arith.mulf %get3A_323, %broadcast_in_dim3A_100 : vector<16xf32>
        %add3A_325 = arith.addf %mul3A_318, %mul3A_324 : vector<16xf32>
        %swap3A_326 = arith.constant 2 : i32
        %swap3A_327 = arith.index_cast %swap3A_326 : i32 to index
        %swap3A_328 = arith.index_cast %mul3A_274 : i32 to index
        %swap3A_329 = tpu.vector_load %arg16[%swap3A_327, %swap3A_328] {strides = array<i32>} : memref<4x4096xf32, #tpu.memory_space<vmem>>, vector<1x16xf32>,
        %swap3A_330 = vector.shape_cast %swap3A_329 : vector<1x16xf32> to vector<16xf32>
        %swap3A_331 = vector.shape_cast %add3A_325 : vector<16xf32> to vector<1x16xf32>
        tpu.vector_store %arg16[%swap3A_327, %swap3A_328], %swap3A_331 {strides = array<i32>} : memref<4x4096xf32, #tpu.memory_space<vmem>>, vector<1x16xf32>,
        %get3A_332 = arith.constant 3 : i32
        %get3A_333 = arith.index_cast %get3A_332 : i32 to index
        %get3A_334 = arith.index_cast %mul3A_274 : i32 to index
        %get3A_335 = tpu.vector_load %arg12[%get3A_333, %get3A_334] {strides = array<i32>} : memref<4x4096xf32, #tpu.memory_space<vmem>>, vector<1x16xf32>,
        %get3A_336 = vector.shape_cast %get3A_335 : vector<1x16xf32> to vector<16xf32>
        %mul3A_337 = arith.mulf %get3A_336, %broadcast_in_dim3A_91 : vector<16xf32>
        %get3A_338 = arith.constant 3 : i32
        %get3A_339 = arith.index_cast %get3A_338 : i32 to index
        %get3A_340 = arith.index_cast %mul3A_274 : i32 to index
        %get3A_341 = tpu.vector_load %arg14[%get3A_339, %get3A_340] {strides = array<i32>} : memref<4x4096xf32, #tpu.memory_space<vmem>>, vector<1x16xf32>,
        %get3A_342 = vector.shape_cast %get3A_341 : vector<1x16xf32> to vector<16xf32>
        %mul3A_343 = arith.mulf %get3A_342, %broadcast_in_dim3A_103 : vector<16xf32>
        %add3A_344 = arith.addf %mul3A_337, %mul3A_343 : vector<16xf32>
        %swap3A_345 = arith.constant 3 : i32
        %swap3A_346 = arith.index_cast %swap3A_345 : i32 to index
        %swap3A_347 = arith.index_cast %mul3A_274 : i32 to index
        %swap3A_348 = tpu.vector_load %arg16[%swap3A_346, %swap3A_347] {strides = array<i32>} : memref<4x4096xf32, #tpu.memory_space<vmem>>, vector<1x16xf32>,
        %swap3A_349 = vector.shape_cast %swap3A_348 : vector<1x16xf32> to vector<16xf32>
        %swap3A_350 = vector.shape_cast %add3A_344 : vector<16xf32> to vector<1x16xf32>
        tpu.vector_store %arg16[%swap3A_346, %swap3A_347], %swap3A_350 {strides = array<i32>} : memref<4x4096xf32, #tpu.memory_space<vmem>>, vector<1x16xf32>,
      }
      %scan3A_109 = arith.constant 256 : i32
      %mul3A_110 = arith.constant 4 : i32
      %mul3A_111 = arith.muli %add3A_52, %mul3A_110 : i32
      %add3A_112 = arith.addi %mul3A_2, %mul3A_111 : i32
      %dma_start3A_113 = arith.constant 0 : i32
      %dma_start3A_114 = tpu.memref_slice %arg7[%add3A_112, %dma_start3A_113] : memref<8192x4096xf32, #tpu.memory_space<hbm>> -> memref<4x4096xf32, #tpu.memory_space<hbm>>
      %dma_start3A_115 = arith.constant 0 : i32
      %dma_start3A_116 = tpu.memref_slice %arg7[%add3A_112, %dma_start3A_115] : memref<8192x4096xf32, #tpu.memory_space<hbm>> -> memref<4x4096xf32, #tpu.memory_space<hbm>>
      tpu.enqueue_dma source(%arg16 : memref<4x4096xf32, #tpu.memory_space<vmem>>) target(%dma_start3A_116 : memref<4x4096xf32, #tpu.memory_space<hbm>>) target_semaphore(%arg20 : memref<!tpu.dma_semaphore, #tpu.memory_space<semaphore_mem>>)
      %mul3A_117 = arith.constant 2 : i32
      %mul3A_118 = arith.muli %scan3A_48, %mul3A_117 : i32
      %add3A_119 = arith.constant 1 : i32
      %add3A_120 = arith.addi %mul3A_118, %add3A_119 : i32
      %add3A_121 = arith.constant 1 : i32
      %add3A_122 = arith.addi %scan3A_48, %add3A_121 : i32
      %lt3A = arith.constant 32 : i32
      %lt3A_123 = arith.cmpi slt, %add3A_122, %lt3A : i32
      %convert_element_type3A_124 = arith.extui %lt3A_123 : i1 to i32
      %cond3A_125 = arith.constant 0 : i32
      %cond3A_126 = arith.cmpi ne, %convert_element_type3A_124, %cond3A_125 : i32
      scf.if %cond3A_126 {
        %add3A_193 = arith.constant 1 : i32
        %add3A_194 = arith.addi %add3A_120, %add3A_193 : i32
        %dma_start3A_195 = arith.constant 0 : i32
        %dma_start3A_196 = tpu.memref_slice %arg8[%add3A_194, %dma_start3A_195] : memref<64x4xi32, #tpu.memory_space<vmem>> -> memref<1x4xi32, #tpu.memory_space<vmem>>
        %dma_start3A_197 = tpu.memref_squeeze %dma_start3A_196 : memref<1x4xi32, #tpu.memory_space<vmem>> -> memref<4xi32, #tpu.memory_space<vmem>>
        %dma_start3A_198 = arith.constant 0 : i32
        %dma_start3A_199 = arith.constant 0 : i32
        %dma_start3A_200 = tpu.memref_slice %arg2[%dma_start3A_198, %dma_start3A_199] : memref<16384x4096xf32, #tpu.memory_space<hbm>> -> memref<16384x4096xf32, #tpu.memory_space<hbm>>
        tpu.enqueue_indirect_dma source(%dma_start3A_200 : memref<16384x4096xf32, #tpu.memory_space<hbm>>) target(%arg12 : memref<4x4096xf32, #tpu.memory_space<vmem>>) offsets(%dma_start3A_197 : memref<4xi32, #tpu.memory_space<vmem>>) semaphore(%arg18 : memref<!tpu.dma_semaphore, #tpu.memory_space<semaphore_mem>>)
        %dma_start3A_201 = arith.constant 0 : i32
        %dma_start3A_202 = tpu.memref_slice %arg9[%add3A_194, %dma_start3A_201] : memref<64x4xi32, #tpu.memory_space<vmem>> -> memref<1x4xi32, #tpu.memory_space<vmem>>
        %dma_start3A_203 = tpu.memref_squeeze %dma_start3A_202 : memref<1x4xi32, #tpu.memory_space<vmem>> -> memref<4xi32, #tpu.memory_space<vmem>>
        %dma_start3A_204 = arith.constant 0 : i32
        %dma_start3A_205 = arith.constant 0 : i32
        %dma_start3A_206 = tpu.memref_slice %arg2[%dma_start3A_204, %dma_start3A_205] : memref<16384x4096xf32, #tpu.memory_space<hbm>> -> memref<16384x4096xf32, #tpu.memory_space<hbm>>
        tpu.enqueue_indirect_dma source(%dma_start3A_206 : memref<16384x4096xf32, #tpu.memory_space<hbm>>) target(%arg14 : memref<4x4096xf32, #tpu.memory_space<vmem>>) offsets(%dma_start3A_203 : memref<4xi32, #tpu.memory_space<vmem>>) semaphore(%arg18 : memref<!tpu.dma_semaphore, #tpu.memory_space<semaphore_mem>>)
      } else {
      }
      %dma_wait3A_127 = arith.constant 0 : i32
      %dma_wait3A_128 = arith.constant 0 : i32
      %dma_wait3A_129 = tpu.memref_slice %arg8[%dma_wait3A_127, %dma_wait3A_128] : memref<64x4xi32, #tpu.memory_space<vmem>> -> memref<1x4xi32, #tpu.memory_space<vmem>>
      %dma_wait3A_130 = tpu.memref_squeeze %dma_wait3A_129 : memref<1x4xi32, #tpu.memory_space<vmem>> -> memref<4xi32, #tpu.memory_space<vmem>>
      %dma_wait3A_131 = arith.constant 0 : i32
      %dma_wait3A_132 = arith.constant 0 : i32
      %dma_wait3A_133 = tpu.memref_slice %arg2[%dma_wait3A_131, %dma_wait3A_132] : memref<16384x4096xf32, #tpu.memory_space<hbm>> -> memref<16384x4096xf32, #tpu.memory_space<hbm>>
      tpu.wait_indirect_dma semaphore(%arg19 : memref<!tpu.dma_semaphore, #tpu.memory_space<semaphore_mem>>) src(%dma_wait3A_133 : memref<16384x4096xf32, #tpu.memory_space<hbm>>) dst(%arg13 : memref<4x4096xf32, #tpu.memory_space<vmem>>)
      %dma_wait3A_134 = arith.constant 0 : i32
      %dma_wait3A_135 = arith.constant 0 : i32
      %dma_wait3A_136 = tpu.memref_slice %arg9[%dma_wait3A_134, %dma_wait3A_135] : memref<64x4xi32, #tpu.memory_space<vmem>> -> memref<1x4xi32, #tpu.memory_space<vmem>>
      %dma_wait3A_137 = tpu.memref_squeeze %dma_wait3A_136 : memref<1x4xi32, #tpu.memory_space<vmem>> -> memref<4xi32, #tpu.memory_space<vmem>>
      %dma_wait3A_138 = arith.constant 0 : i32
      %dma_wait3A_139 = arith.constant 0 : i32
      %dma_wait3A_140 = tpu.memref_slice %arg2[%dma_wait3A_138, %dma_wait3A_139] : memref<16384x4096xf32, #tpu.memory_space<hbm>> -> memref<16384x4096xf32, #tpu.memory_space<hbm>>
      tpu.wait_indirect_dma semaphore(%arg19 : memref<!tpu.dma_semaphore, #tpu.memory_space<semaphore_mem>>) src(%dma_wait3A_140 : memref<16384x4096xf32, #tpu.memory_space<hbm>>) dst(%arg15 : memref<4x4096xf32, #tpu.memory_space<vmem>>)
      %ge3A_141 = arith.constant 1 : i32
      %ge3A_142 = arith.cmpi sge, %scan3A_48, %ge3A_141 : i32
      %convert_element_type3A_143 = arith.extui %ge3A_142 : i1 to i32
      %cond3A_144 = arith.constant 0 : i32
      %cond3A_145 = arith.cmpi ne, %convert_element_type3A_143, %cond3A_144 : i32
      scf.if %cond3A_145 {
        %dma_wait3A_193 = arith.constant 0 : i32
        %dma_wait3A_194 = tpu.memref_slice %arg7[%mul3A_2, %dma_wait3A_193] : memref<8192x4096xf32, #tpu.memory_space<hbm>> -> memref<4x4096xf32, #tpu.memory_space<hbm>>
        %dma_wait3A_195 = arith.constant 0 : i32
        %dma_wait3A_196 = tpu.memref_slice %arg7[%mul3A_2, %dma_wait3A_195] : memref<8192x4096xf32, #tpu.memory_space<hbm>> -> memref<4x4096xf32, #tpu.memory_space<hbm>>
        tpu.wait_dma2 semaphore(%arg21 : memref<!tpu.dma_semaphore, #tpu.memory_space<semaphore_mem>>) src(%arg17 : memref<4x4096xf32, #tpu.memory_space<vmem>>) dst(%dma_wait3A_196 : memref<4x4096xf32, #tpu.memory_space<hbm>>)
      } else {
      }
      %mul3A_146 = arith.constant 4 : i32
      %mul3A_147 = arith.muli %add3A_120, %mul3A_146 : i32
      %get3A_148 = arith.index_cast %mul3A_147 : i32 to index
      %get3A_149 = tpu.vector_load %arg10[%get3A_148] {strides = array<i32>} : memref<272xf32, #tpu.memory_space<vmem>>, vector<16xf32>,
      %get3A_150 = vector.shape_cast %get3A_149 : vector<16xf32> to vector<16xf32>
      %mul3A_151 = arith.constant 4 : i32
      %mul3A_152 = arith.muli %add3A_120, %mul3A_151 : i32
      %get3A_153 = arith.index_cast %mul3A_152 : i32 to index
      %get3A_154 = tpu.vector_load %arg11[%get3A_153] {strides = array<i32>} : memref<272xf32, #tpu.memory_space<vmem>>, vector<16xf32>,
      %get3A_155 = vector.shape_cast %get3A_154 : vector<16xf32> to vector<16xf32>
      %slice3A_156 = vector.extract_strided_slice %get3A_150 {offsets = [0], sizes = [1], strides = [1]} : vector<16xf32> to vector<1xf32>
      %squeeze3A_157 = vector.extract %slice3A_156[0] : f32 from vector<1xf32>
      %broadcast_in_dim3A_158 = vector.broadcast %squeeze3A_157 : f32 to vector<16xf32>
      %slice3A_159 = vector.extract_strided_slice %get3A_150 {offsets = [1], sizes = [1], strides = [1]} : vector<16xf32> to vector<1xf32>
      %squeeze3A_160 = vector.extract %slice3A_159[0] : f32 from vector<1xf32>
      %broadcast_in_dim3A_161 = vector.broadcast %squeeze3A_160 : f32 to vector<16xf32>
      %slice3A_162 = vector.extract_strided_slice %get3A_150 {offsets = [2], sizes = [1], strides = [1]} : vector<16xf32> to vector<1xf32>
      %squeeze3A_163 = vector.extract %slice3A_162[0] : f32 from vector<1xf32>
      %broadcast_in_dim3A_164 = vector.broadcast %squeeze3A_163 : f32 to vector<16xf32>
      %slice3A_165 = vector.extract_strided_slice %get3A_150 {offsets = [3], sizes = [1], strides = [1]} : vector<16xf32> to vector<1xf32>
      %squeeze3A_166 = vector.extract %slice3A_165[0] : f32 from vector<1xf32>
      %broadcast_in_dim3A_167 = vector.broadcast %squeeze3A_166 : f32 to vector<16xf32>
      %slice3A_168 = vector.extract_strided_slice %get3A_155 {offsets = [0], sizes = [1], strides = [1]} : vector<16xf32> to vector<1xf32>
      %squeeze3A_169 = vector.extract %slice3A_168[0] : f32 from vector<1xf32>
      %broadcast_in_dim3A_170 = vector.broadcast %squeeze3A_169 : f32 to vector<16xf32>
      %slice3A_171 = vector.extract_strided_slice %get3A_155 {offsets = [1], sizes = [1], strides = [1]} : vector<16xf32> to vector<1xf32>
      %squeeze3A_172 = vector.extract %slice3A_171[0] : f32 from vector<1xf32>
      %broadcast_in_dim3A_173 = vector.broadcast %squeeze3A_172 : f32 to vector<16xf32>
      %slice3A_174 = vector.extract_strided_slice %get3A_155 {offsets = [2], sizes = [1], strides = [1]} : vector<16xf32> to vector<1xf32>
      %squeeze3A_175 = vector.extract %slice3A_174[0] : f32 from vector<1xf32>
      %broadcast_in_dim3A_176 = vector.broadcast %squeeze3A_175 : f32 to vector<16xf32>
      %slice3A_177 = vector.extract_strided_slice %get3A_155 {offsets = [3], sizes = [1], strides = [1]} : vector<16xf32> to vector<1xf32>
      %squeeze3A_178 = vector.extract %slice3A_177[0] : f32 from vector<1xf32>
      %broadcast_in_dim3A_179 = vector.broadcast %squeeze3A_178 : f32 to vector<16xf32>
      %scan3A_180 = arith.constant 0 : i32
      %scan3A_181 = arith.constant 0 : i32
      %scan3A_182 = arith.constant 256 : i32
      %scan3A_183 = arith.addi %scan3A_181, %scan3A_182 : i32
      %scan3A_184 = arith.constant 2 : i32
      scf.for %scan3A_193 = %scan3A_181 to %scan3A_183 step %scan3A_184  : i32 {
        %mul3A_194 = arith.constant 16 : i32
        %mul3A_195 = arith.muli %scan3A_193, %mul3A_194 : i32
        %get3A_196 = arith.constant 0 : i32
        %get3A_197 = arith.index_cast %get3A_196 : i32 to index
        %get3A_198 = arith.index_cast %mul3A_195 : i32 to index
        %get3A_199 = tpu.vector_load %arg13[%get3A_197, %get3A_198] {strides = array<i32>} : memref<4x4096xf32, #tpu.memory_space<vmem>>, vector<1x16xf32>,
        %get3A_200 = vector.shape_cast %get3A_199 : vector<1x16xf32> to vector<16xf32>
        %mul3A_201 = arith.mulf %get3A_200, %broadcast_in_dim3A_158 : vector<16xf32>
        %get3A_202 = arith.constant 0 : i32
        %get3A_203 = arith.index_cast %get3A_202 : i32 to index
        %get3A_204 = arith.index_cast %mul3A_195 : i32 to index
        %get3A_205 = tpu.vector_load %arg15[%get3A_203, %get3A_204] {strides = array<i32>} : memref<4x4096xf32, #tpu.memory_space<vmem>>, vector<1x16xf32>,
        %get3A_206 = vector.shape_cast %get3A_205 : vector<1x16xf32> to vector<16xf32>
        %mul3A_207 = arith.mulf %get3A_206, %broadcast_in_dim3A_170 : vector<16xf32>
        %add3A_208 = arith.addf %mul3A_201, %mul3A_207 : vector<16xf32>
        %swap3A = arith.constant 0 : i32
        %swap3A_209 = arith.index_cast %swap3A : i32 to index
        %swap3A_210 = arith.index_cast %mul3A_195 : i32 to index
        %swap3A_211 = tpu.vector_load %arg17[%swap3A_209, %swap3A_210] {strides = array<i32>} : memref<4x4096xf32, #tpu.memory_space<vmem>>, vector<1x16xf32>,
        %swap3A_212 = vector.shape_cast %swap3A_211 : vector<1x16xf32> to vector<16xf32>
        %swap3A_213 = vector.shape_cast %add3A_208 : vector<16xf32> to vector<1x16xf32>
        tpu.vector_store %arg17[%swap3A_209, %swap3A_210], %swap3A_213 {strides = array<i32>} : memref<4x4096xf32, #tpu.memory_space<vmem>>, vector<1x16xf32>,
        %get3A_214 = arith.constant 1 : i32
        %get3A_215 = arith.index_cast %get3A_214 : i32 to index
        %get3A_216 = arith.index_cast %mul3A_195 : i32 to index
        %get3A_217 = tpu.vector_load %arg13[%get3A_215, %get3A_216] {strides = array<i32>} : memref<4x4096xf32, #tpu.memory_space<vmem>>, vector<1x16xf32>,
        %get3A_218 = vector.shape_cast %get3A_217 : vector<1x16xf32> to vector<16xf32>
        %mul3A_219 = arith.mulf %get3A_218, %broadcast_in_dim3A_161 : vector<16xf32>
        %get3A_220 = arith.constant 1 : i32
        %get3A_221 = arith.index_cast %get3A_220 : i32 to index
        %get3A_222 = arith.index_cast %mul3A_195 : i32 to index
        %get3A_223 = tpu.vector_load %arg15[%get3A_221, %get3A_222] {strides = array<i32>} : memref<4x4096xf32, #tpu.memory_space<vmem>>, vector<1x16xf32>,
        %get3A_224 = vector.shape_cast %get3A_223 : vector<1x16xf32> to vector<16xf32>
        %mul3A_225 = arith.mulf %get3A_224, %broadcast_in_dim3A_173 : vector<16xf32>
        %add3A_226 = arith.addf %mul3A_219, %mul3A_225 : vector<16xf32>
        %swap3A_227 = arith.constant 1 : i32
        %swap3A_228 = arith.index_cast %swap3A_227 : i32 to index
        %swap3A_229 = arith.index_cast %mul3A_195 : i32 to index
        %swap3A_230 = tpu.vector_load %arg17[%swap3A_228, %swap3A_229] {strides = array<i32>} : memref<4x4096xf32, #tpu.memory_space<vmem>>, vector<1x16xf32>,
        %swap3A_231 = vector.shape_cast %swap3A_230 : vector<1x16xf32> to vector<16xf32>
        %swap3A_232 = vector.shape_cast %add3A_226 : vector<16xf32> to vector<1x16xf32>
        tpu.vector_store %arg17[%swap3A_228, %swap3A_229], %swap3A_232 {strides = array<i32>} : memref<4x4096xf32, #tpu.memory_space<vmem>>, vector<1x16xf32>,
        %get3A_233 = arith.constant 2 : i32
        %get3A_234 = arith.index_cast %get3A_233 : i32 to index
        %get3A_235 = arith.index_cast %mul3A_195 : i32 to index
        %get3A_236 = tpu.vector_load %arg13[%get3A_234, %get3A_235] {strides = array<i32>} : memref<4x4096xf32, #tpu.memory_space<vmem>>, vector<1x16xf32>,
        %get3A_237 = vector.shape_cast %get3A_236 : vector<1x16xf32> to vector<16xf32>
        %mul3A_238 = arith.mulf %get3A_237, %broadcast_in_dim3A_164 : vector<16xf32>
        %get3A_239 = arith.constant 2 : i32
        %get3A_240 = arith.index_cast %get3A_239 : i32 to index
        %get3A_241 = arith.index_cast %mul3A_195 : i32 to index
        %get3A_242 = tpu.vector_load %arg15[%get3A_240, %get3A_241] {strides = array<i32>} : memref<4x4096xf32, #tpu.memory_space<vmem>>, vector<1x16xf32>,
        %get3A_243 = vector.shape_cast %get3A_242 : vector<1x16xf32> to vector<16xf32>
        %mul3A_244 = arith.mulf %get3A_243, %broadcast_in_dim3A_176 : vector<16xf32>
        %add3A_245 = arith.addf %mul3A_238, %mul3A_244 : vector<16xf32>
        %swap3A_246 = arith.constant 2 : i32
        %swap3A_247 = arith.index_cast %swap3A_246 : i32 to index
        %swap3A_248 = arith.index_cast %mul3A_195 : i32 to index
        %swap3A_249 = tpu.vector_load %arg17[%swap3A_247, %swap3A_248] {strides = array<i32>} : memref<4x4096xf32, #tpu.memory_space<vmem>>, vector<1x16xf32>,
        %swap3A_250 = vector.shape_cast %swap3A_249 : vector<1x16xf32> to vector<16xf32>
        %swap3A_251 = vector.shape_cast %add3A_245 : vector<16xf32> to vector<1x16xf32>
        tpu.vector_store %arg17[%swap3A_247, %swap3A_248], %swap3A_251 {strides = array<i32>} : memref<4x4096xf32, #tpu.memory_space<vmem>>, vector<1x16xf32>,
        %get3A_252 = arith.constant 3 : i32
        %get3A_253 = arith.index_cast %get3A_252 : i32 to index
        %get3A_254 = arith.index_cast %mul3A_195 : i32 to index
        %get3A_255 = tpu.vector_load %arg13[%get3A_253, %get3A_254] {strides = array<i32>} : memref<4x4096xf32, #tpu.memory_space<vmem>>, vector<1x16xf32>,
        %get3A_256 = vector.shape_cast %get3A_255 : vector<1x16xf32> to vector<16xf32>
        %mul3A_257 = arith.mulf %get3A_256, %broadcast_in_dim3A_167 : vector<16xf32>
        %get3A_258 = arith.constant 3 : i32
        %get3A_259 = arith.index_cast %get3A_258 : i32 to index
        %get3A_260 = arith.index_cast %mul3A_195 : i32 to index
        %get3A_261 = tpu.vector_load %arg15[%get3A_259, %get3A_260] {strides = array<i32>} : memref<4x4096xf32, #tpu.memory_space<vmem>>, vector<1x16xf32>,
        %get3A_262 = vector.shape_cast %get3A_261 : vector<1x16xf32> to vector<16xf32>
        %mul3A_263 = arith.mulf %get3A_262, %broadcast_in_dim3A_179 : vector<16xf32>
        %add3A_264 = arith.addf %mul3A_257, %mul3A_263 : vector<16xf32>
        %swap3A_265 = arith.constant 3 : i32
        %swap3A_266 = arith.index_cast %swap3A_265 : i32 to index
        %swap3A_267 = arith.index_cast %mul3A_195 : i32 to index
        %swap3A_268 = tpu.vector_load %arg17[%swap3A_266, %swap3A_267] {strides = array<i32>} : memref<4x4096xf32, #tpu.memory_space<vmem>>, vector<1x16xf32>,
        %swap3A_269 = vector.shape_cast %swap3A_268 : vector<1x16xf32> to vector<16xf32>
        %swap3A_270 = vector.shape_cast %add3A_264 : vector<16xf32> to vector<1x16xf32>
        tpu.vector_store %arg17[%swap3A_266, %swap3A_267], %swap3A_270 {strides = array<i32>} : memref<4x4096xf32, #tpu.memory_space<vmem>>, vector<1x16xf32>,
        %scan3A_271 = arith.constant 1 : i32
        %scan3A_272 = arith.addi %scan3A_193, %scan3A_271 : i32
        %mul3A_273 = arith.constant 16 : i32
        %mul3A_274 = arith.muli %scan3A_272, %mul3A_273 : i32
        %get3A_275 = arith.constant 0 : i32
        %get3A_276 = arith.index_cast %get3A_275 : i32 to index
        %get3A_277 = arith.index_cast %mul3A_274 : i32 to index
        %get3A_278 = tpu.vector_load %arg13[%get3A_276, %get3A_277] {strides = array<i32>} : memref<4x4096xf32, #tpu.memory_space<vmem>>, vector<1x16xf32>,
        %get3A_279 = vector.shape_cast %get3A_278 : vector<1x16xf32> to vector<16xf32>
        %mul3A_280 = arith.mulf %get3A_279, %broadcast_in_dim3A_158 : vector<16xf32>
        %get3A_281 = arith.constant 0 : i32
        %get3A_282 = arith.index_cast %get3A_281 : i32 to index
        %get3A_283 = arith.index_cast %mul3A_274 : i32 to index
        %get3A_284 = tpu.vector_load %arg15[%get3A_282, %get3A_283] {strides = array<i32>} : memref<4x4096xf32, #tpu.memory_space<vmem>>, vector<1x16xf32>,
        %get3A_285 = vector.shape_cast %get3A_284 : vector<1x16xf32> to vector<16xf32>
        %mul3A_286 = arith.mulf %get3A_285, %broadcast_in_dim3A_170 : vector<16xf32>
        %add3A_287 = arith.addf %mul3A_280, %mul3A_286 : vector<16xf32>
        %swap3A_288 = arith.constant 0 : i32
        %swap3A_289 = arith.index_cast %swap3A_288 : i32 to index
        %swap3A_290 = arith.index_cast %mul3A_274 : i32 to index
        %swap3A_291 = tpu.vector_load %arg17[%swap3A_289, %swap3A_290] {strides = array<i32>} : memref<4x4096xf32, #tpu.memory_space<vmem>>, vector<1x16xf32>,
        %swap3A_292 = vector.shape_cast %swap3A_291 : vector<1x16xf32> to vector<16xf32>
        %swap3A_293 = vector.shape_cast %add3A_287 : vector<16xf32> to vector<1x16xf32>
        tpu.vector_store %arg17[%swap3A_289, %swap3A_290], %swap3A_293 {strides = array<i32>} : memref<4x4096xf32, #tpu.memory_space<vmem>>, vector<1x16xf32>,
        %get3A_294 = arith.constant 1 : i32
        %get3A_295 = arith.index_cast %get3A_294 : i32 to index
        %get3A_296 = arith.index_cast %mul3A_274 : i32 to index
        %get3A_297 = tpu.vector_load %arg13[%get3A_295, %get3A_296] {strides = array<i32>} : memref<4x4096xf32, #tpu.memory_space<vmem>>, vector<1x16xf32>,
        %get3A_298 = vector.shape_cast %get3A_297 : vector<1x16xf32> to vector<16xf32>
        %mul3A_299 = arith.mulf %get3A_298, %broadcast_in_dim3A_161 : vector<16xf32>
        %get3A_300 = arith.constant 1 : i32
        %get3A_301 = arith.index_cast %get3A_300 : i32 to index
        %get3A_302 = arith.index_cast %mul3A_274 : i32 to index
        %get3A_303 = tpu.vector_load %arg15[%get3A_301, %get3A_302] {strides = array<i32>} : memref<4x4096xf32, #tpu.memory_space<vmem>>, vector<1x16xf32>,
        %get3A_304 = vector.shape_cast %get3A_303 : vector<1x16xf32> to vector<16xf32>
        %mul3A_305 = arith.mulf %get3A_304, %broadcast_in_dim3A_173 : vector<16xf32>
        %add3A_306 = arith.addf %mul3A_299, %mul3A_305 : vector<16xf32>
        %swap3A_307 = arith.constant 1 : i32
        %swap3A_308 = arith.index_cast %swap3A_307 : i32 to index
        %swap3A_309 = arith.index_cast %mul3A_274 : i32 to index
        %swap3A_310 = tpu.vector_load %arg17[%swap3A_308, %swap3A_309] {strides = array<i32>} : memref<4x4096xf32, #tpu.memory_space<vmem>>, vector<1x16xf32>,
        %swap3A_311 = vector.shape_cast %swap3A_310 : vector<1x16xf32> to vector<16xf32>
        %swap3A_312 = vector.shape_cast %add3A_306 : vector<16xf32> to vector<1x16xf32>
        tpu.vector_store %arg17[%swap3A_308, %swap3A_309], %swap3A_312 {strides = array<i32>} : memref<4x4096xf32, #tpu.memory_space<vmem>>, vector<1x16xf32>,
        %get3A_313 = arith.constant 2 : i32
        %get3A_314 = arith.index_cast %get3A_313 : i32 to index
        %get3A_315 = arith.index_cast %mul3A_274 : i32 to index
        %get3A_316 = tpu.vector_load %arg13[%get3A_314, %get3A_315] {strides = array<i32>} : memref<4x4096xf32, #tpu.memory_space<vmem>>, vector<1x16xf32>,
        %get3A_317 = vector.shape_cast %get3A_316 : vector<1x16xf32> to vector<16xf32>
        %mul3A_318 = arith.mulf %get3A_317, %broadcast_in_dim3A_164 : vector<16xf32>
        %get3A_319 = arith.constant 2 : i32
        %get3A_320 = arith.index_cast %get3A_319 : i32 to index
        %get3A_321 = arith.index_cast %mul3A_274 : i32 to index
        %get3A_322 = tpu.vector_load %arg15[%get3A_320, %get3A_321] {strides = array<i32>} : memref<4x4096xf32, #tpu.memory_space<vmem>>, vector<1x16xf32>,
        %get3A_323 = vector.shape_cast %get3A_322 : vector<1x16xf32> to vector<16xf32>
        %mul3A_324 = arith.mulf %get3A_323, %broadcast_in_dim3A_176 : vector<16xf32>
        %add3A_325 = arith.addf %mul3A_318, %mul3A_324 : vector<16xf32>
        %swap3A_326 = arith.constant 2 : i32
        %swap3A_327 = arith.index_cast %swap3A_326 : i32 to index
        %swap3A_328 = arith.index_cast %mul3A_274 : i32 to index
        %swap3A_329 = tpu.vector_load %arg17[%swap3A_327, %swap3A_328] {strides = array<i32>} : memref<4x4096xf32, #tpu.memory_space<vmem>>, vector<1x16xf32>,
        %swap3A_330 = vector.shape_cast %swap3A_329 : vector<1x16xf32> to vector<16xf32>
        %swap3A_331 = vector.shape_cast %add3A_325 : vector<16xf32> to vector<1x16xf32>
        tpu.vector_store %arg17[%swap3A_327, %swap3A_328], %swap3A_331 {strides = array<i32>} : memref<4x4096xf32, #tpu.memory_space<vmem>>, vector<1x16xf32>,
        %get3A_332 = arith.constant 3 : i32
        %get3A_333 = arith.index_cast %get3A_332 : i32 to index
        %get3A_334 = arith.index_cast %mul3A_274 : i32 to index
        %get3A_335 = tpu.vector_load %arg13[%get3A_333, %get3A_334] {strides = array<i32>} : memref<4x4096xf32, #tpu.memory_space<vmem>>, vector<1x16xf32>,
        %get3A_336 = vector.shape_cast %get3A_335 : vector<1x16xf32> to vector<16xf32>
        %mul3A_337 = arith.mulf %get3A_336, %broadcast_in_dim3A_167 : vector<16xf32>
        %get3A_338 = arith.constant 3 : i32
        %get3A_339 = arith.index_cast %get3A_338 : i32 to index
        %get3A_340 = arith.index_cast %mul3A_274 : i32 to index
        %get3A_341 = tpu.vector_load %arg15[%get3A_339, %get3A_340] {strides = array<i32>} : memref<4x4096xf32, #tpu.memory_space<vmem>>, vector<1x16xf32>,
        %get3A_342 = vector.shape_cast %get3A_341 : vector<1x16xf32> to vector<16xf32>
        %mul3A_343 = arith.mulf %get3A_342, %broadcast_in_dim3A_179 : vector<16xf32>
        %add3A_344 = arith.addf %mul3A_337, %mul3A_343 : vector<16xf32>
        %swap3A_345 = arith.constant 3 : i32
        %swap3A_346 = arith.index_cast %swap3A_345 : i32 to index
        %swap3A_347 = arith.index_cast %mul3A_274 : i32 to index
        %swap3A_348 = tpu.vector_load %arg17[%swap3A_346, %swap3A_347] {strides = array<i32>} : memref<4x4096xf32, #tpu.memory_space<vmem>>, vector<1x16xf32>,
        %swap3A_349 = vector.shape_cast %swap3A_348 : vector<1x16xf32> to vector<16xf32>
        %swap3A_350 = vector.shape_cast %add3A_344 : vector<16xf32> to vector<1x16xf32>
        tpu.vector_store %arg17[%swap3A_346, %swap3A_347], %swap3A_350 {strides = array<i32>} : memref<4x4096xf32, #tpu.memory_space<vmem>>, vector<1x16xf32>,
      }
      %scan3A_185 = arith.constant 256 : i32
      %mul3A_186 = arith.constant 4 : i32
      %mul3A_187 = arith.muli %add3A_120, %mul3A_186 : i32
      %add3A_188 = arith.addi %mul3A_2, %mul3A_187 : i32
      %dma_start3A_189 = arith.constant 0 : i32
      %dma_start3A_190 = tpu.memref_slice %arg7[%add3A_188, %dma_start3A_189] : memref<8192x4096xf32, #tpu.memory_space<hbm>> -> memref<4x4096xf32, #tpu.memory_space<hbm>>
      %dma_start3A_191 = arith.constant 0 : i32
      %dma_start3A_192 = tpu.memref_slice %arg7[%add3A_188, %dma_start3A_191] : memref<8192x4096xf32, #tpu.memory_space<hbm>> -> memref<4x4096xf32, #tpu.memory_space<hbm>>
      tpu.enqueue_dma source(%arg17 : memref<4x4096xf32, #tpu.memory_space<vmem>>) target(%dma_start3A_192 : memref<4x4096xf32, #tpu.memory_space<hbm>>) target_semaphore(%arg21 : memref<!tpu.dma_semaphore, #tpu.memory_space<semaphore_mem>>)
    }
    %scan3A_40 = arith.constant 32 : i32
    %dma_wait3A = arith.constant 0 : i32
    %dma_wait3A_41 = tpu.memref_slice %arg7[%mul3A_2, %dma_wait3A] : memref<8192x4096xf32, #tpu.memory_space<hbm>> -> memref<4x4096xf32, #tpu.memory_space<hbm>>
    %dma_wait3A_42 = arith.constant 0 : i32
    %dma_wait3A_43 = tpu.memref_slice %arg7[%mul3A_2, %dma_wait3A_42] : memref<8192x4096xf32, #tpu.memory_space<hbm>> -> memref<4x4096xf32, #tpu.memory_space<hbm>>
    tpu.wait_dma2 semaphore(%arg20 : memref<!tpu.dma_semaphore, #tpu.memory_space<semaphore_mem>>) src(%arg16 : memref<4x4096xf32, #tpu.memory_space<vmem>>) dst(%dma_wait3A_43 : memref<4x4096xf32, #tpu.memory_space<hbm>>)
    %dma_wait3A_44 = arith.constant 0 : i32
    %dma_wait3A_45 = tpu.memref_slice %arg7[%mul3A_2, %dma_wait3A_44] : memref<8192x4096xf32, #tpu.memory_space<hbm>> -> memref<4x4096xf32, #tpu.memory_space<hbm>>
    %dma_wait3A_46 = arith.constant 0 : i32
    %dma_wait3A_47 = tpu.memref_slice %arg7[%mul3A_2, %dma_wait3A_46] : memref<8192x4096xf32, #tpu.memory_space<hbm>> -> memref<4x4096xf32, #tpu.memory_space<hbm>>
    tpu.wait_dma2 semaphore(%arg21 : memref<!tpu.dma_semaphore, #tpu.memory_space<semaphore_mem>>) src(%arg17 : memref<4x4096xf32, #tpu.memory_space<vmem>>) dst(%dma_wait3A_47 : memref<4x4096xf32, #tpu.memory_space<hbm>>)
    return
  }
}

</mosaic_0001>

<sc_bundles>
// kernel: kernel.3.cloned.1.call-start
scs
__scs_entry_jumppad:
0x0: {  	(pc) =	sbr.rel $0x88, $3  }
0x1: {  	(tag) =	ssettag $0x0;
	lr =	simm.s32 $0x1  }
0x2: {  	[smem:$0x3F9E] =	sst lr;
	_ =	strace $0xD0000000  }
0x3: {  	_ = 	snop  }
0x4: {  	_ = 	snop  }
0x5: {  	_ = 	snop  }
0x6: {  	_ = 	snop  }
0x7: {  	_ = 	snop  }
__scs_overlays_trampoline_lowered:
0x8: {  	[smem:$0x3FAD] =	sst s0  }
0x9: {  	[smem:$0x3FAE] =	sst s1  }
0xa: {  	[smem:$0x3FAF] =	sst s2  }
0xb: {  	[smem:$0x3FB0] =	sst s3  }
0xc: {  	[smem:$0x3FB1] =	sst s4  }
0xd: {  	[smem:$0x3FB2] =	sst s5  }
0xe: {  	[smem:$0x3FB3] =	sst s6  }
0xf: {  	[smem:$0x3FB4] =	sst s7  }
0x10: {  	[smem:$0x3FB5] =	sst s8  }
0x11: {  	[smem:$0x3FB6] =	sst s9;
	s0 =	simm.s32 @!p0 $0x0  }
0x12: {  	s1 =	sld [smem:$0x3F9C];
	s0 =	simm.s32 @p0 $0x1  }
0x13: {  	[smem:$0x3FB7] =	sst s0;
	s0 =	simm.s32 @!p1 $0x0  }
0x14: {  	s2 =	sld [smem:$0x3F9B];
	s0 =	simm.s32 @p1 $0x1  }
0x15: {  	[smem:$0x3FB8] =	sst s0;
	s0 =	simm.s32 @!p2 $0x0  }
0x16: {  	s3 =	sld [smem:$0x3FDB];
	s0 =	simm.s32 @p2 $0x1  }
0x17: {  	s4 =	simm.s32 $0x1BF5;
	[smem:$0x3FBA] =	sst s0  }
0x18: {  	s0 =	sld [smem:$0x3F9D];
	_ =	swait.ge [sflag:s4], $0x0  }
0x19: {  	s7 =	sld [smem:$0x3F9E]  }
0x1a: {  	s8 =	sadd.s32 $0xFFFFE003, lr  }
0x1b: {  	s9 =	sadd.s32 $0xFFFFFEF7, lr;
	s5 =	simm.s32 $0xFFFFFFFF;
	p2 =	slt.u32 s8, $0xFFFFF086  }
0x1c: {  	p1 =	slt.u32 s9, $0xF7A;
	s5 =	simm.s32 @!p2 $0x0  }
0x1d: {  	s5 =	simm.s32 @p1 $0x1;
	p0 =	seq.s32 s7, s2  }
0x1e: {  	s7 =	smul.u32 @!p0 $0xF7A, s2;
	p2 =	seq.s32 @!p0 s5, $0x0  }
0x1f: {  	s9 =	smul.u32 $0xF7A, s1;
	s8 =	simm.s32 @!p0 $0x1BF5;
	p2 =	por !p2, p0  }
0x20: {  	[sflag:s8] =	ssyncset.s32 @!p0 $0xFFFFF086;
	s6 =	sadd.s32 @!p0 s3, s7;
	s7 =	simm.s32 @!p0 $0x108  }
0x21: {  	s3 =	sadd.s32 s3, s9;
	s6 =	sadd.s32 @!p0 $0x88, s6;
	s7 =	simm.s32 @p2 $0x1082  }
0x22: {  	[simem:s7], [sflag:s8] =	dma.local @!p0 [hbm:s6], $0xF7A  }
0x23: {  	s9 =	sor.u32 $0xD0000000, s2;
	s6 =	simm.s32 $0x108;
	_ =	swait.ge @!p0 [sflag:s8], $0x0  }
0x24: {  	s3 =	sadd.s32 $0x88, s3;
	s6 =	simm.s32 @!p1 $0x1082;
	[sflag:s4] =	ssyncset.s32 $0xFFFFF086  }
0x25: {  	[simem:s6], [sflag:s4] =	dma.local [hbm:s3], $0xF7A  }
0x26: {  	[smem:$0x3F9E] =	sst s1;
	(tag) =	ssettag s2;
	_ =	strace s9  }
0x27: {  	s1 =	sld [smem:$0x3FAE]  }
0x28: {  	s2 =	sld [smem:$0x3FAF]  }
0x29: {  	s4 =	sld [smem:$0x3FB1]  }
0x2a: {  	p0 =	seq.s32 s5, $0x0;
	s5 =	sld [smem:$0x3FB2]  }
0x2b: {  	s6 =	sld [smem:$0x3FB3]  }
0x2c: {  	s7 =	sld [smem:$0x3FB4]  }
0x2d: {  	s3 =	simm.s32 $0x108;
	s8 =	sld [smem:$0x3FB5]  }
0x2e: {  	s3 =	simm.s32 @!p0 $0x1082;
	s9 =	sld [smem:$0x3FB6]  }
0x2f: {  	lr =	sadd.s32 s0, s3;
	s0 =	sld [smem:$0x3FAD]  }
0x30: {  	s3 =	sld [smem:$0x3FB0]  }
0x31: {  	[smem:$0x3FB9] =	sst s10  }
0x32: {  	s10 =	sld [smem:$0x3FB7];
	_ =	sdelay $0x3  }
0x33: {  	p0 =	seq.s32 s10, $0x1;
	s10 =	sld [smem:$0x3FB9];
	_ =	sdelay $0x3  }
0x34: {  	[smem:$0x3FB9] =	sst s10  }
0x35: {  	s10 =	sld [smem:$0x3FB8];
	_ =	sdelay $0x3  }
0x36: {  	p1 =	seq.s32 s10, $0x1;
	s10 =	sld [smem:$0x3FB9];
	_ =	sdelay $0x3  }
0x37: {  	[smem:$0x3FB9] =	sst s10  }
0x38: {  	s10 =	sld [smem:$0x3FBA]  }
0x39: {  	_ = 	snop;
	(pc) =	sbr.ind lr, $3  }
0x3a: {  	_ = 	snop  }
0x3b: {  	_ = 	snop  }
0x3c: {  	p2 =	seq.s32 s10, $0x1;
	s10 =	sld [smem:$0x3FB9]  }
0x3d: {  	_ =	shalt  }
0x3e: {  	_ =	shalt  }
0x3f: {  	_ =	shalt  }
0x40: {  	_ =	shalt  }
0x41: {  	_ =	shalt  }
0x42: {  	_ =	shalt  }
0x43: {  	_ =	shalt  }
0x44: {  	_ =	shalt  }
0x45: {  	_ =	shalt  }
0x46: {  	_ =	shalt  }
0x47: {  	_ =	shalt  }
0x48: {  	_ =	shalt  }
0x49: {  	_ =	shalt  }
0x4a: {  	_ =	shalt  }
0x4b: {  	_ =	shalt  }
0x4c: {  	_ =	shalt  }
0x4d: {  	_ =	shalt  }
0x4e: {  	_ =	shalt  }
0x4f: {  	_ =	shalt  }
0x50: {  	_ =	shalt  }
0x51: {  	_ =	shalt  }
0x52: {  	_ =	shalt  }
0x53: {  	_ =	shalt  }
0x54: {  	_ =	shalt  }
0x55: {  	_ =	shalt  }
0x56: {  	_ =	shalt  }
0x57: {  	_ =	shalt  }
0x58: {  	_ =	shalt  }
0x59: {  	_ =	shalt  }
0x5a: {  	_ =	shalt  }
0x5b: {  	_ =	shalt  }
0x5c: {  	_ =	shalt  }
0x5d: {  	_ =	shalt  }
0x5e: {  	_ =	shalt  }
0x5f: {  	_ =	shalt  }
0x60: {  	_ =	shalt  }
0x61: {  	_ =	shalt  }
0x62: {  	_ =	shalt  }
0x63: {  	_ =	shalt  }
0x64: {  	_ =	shalt  }
0x65: {  	_ =	shalt  }
0x66: {  	_ =	shalt  }
0x67: {  	_ =	shalt  }
0x68: {  	_ =	shalt  }
0x69: {  	_ =	shalt  }
0x6a: {  	_ =	shalt  }
0x6b: {  	_ =	shalt  }
0x6c: {  	_ =	shalt  }
0x6d: {  	_ =	shalt  }
0x6e: {  	_ =	shalt  }
0x6f: {  	_ =	shalt  }
0x70: {  	_ =	shalt  }
0x71: {  	_ =	shalt  }
0x72: {  	_ =	shalt  }
0x73: {  	_ =	shalt  }
0x74: {  	_ =	shalt  }
0x75: {  	_ =	shalt  }
0x76: {  	_ =	shalt  }
0x77: {  	_ =	shalt  }
0x78: {  	_ =	shalt  }
0x79: {  	_ =	shalt  }
0x7a: {  	_ =	shalt  }
0x7b: {  	_ =	shalt  }
0x7c: {  	_ =	shalt  }
0x7d: {  	_ =	shalt  }
0x7e: {  	_ =	shalt  }
0x7f: {  	_ =	shalt  }
0x80: {  	_ =	shalt  }
0x81: {  	_ =	shalt  }
0x82: {  	_ =	shalt  }
0x83: {  	_ =	shalt  }
0x84: {  	_ =	shalt  }
0x85: {  	_ =	shalt  }
0x86: {  	_ =	shalt  }
0x87: {  	_ =	shalt  }
.Lfunc_end0:
.L_simem_size_0:
called_computation_lowered:
.L_overlay_start_0:
0x88: {  	s2 =	sld [smem:$0x3FD9]  }
0x89: {  	s3 =	sld [smem:$0x3FFE];
	_ =	sdelay $0x1  }
0x8a: {  	s1 =	srdreg.scid  }
0x8b: {  	s0 =	sand.u32 $0x1, s1  }
0x8c: {  	s17 =	sshll.u32 s0, $0xA;
	s2 =	sadd.s32 s3, s2  }
0x8d: {  	s2 =	sadd.s32 s2, s17  }
0x8e: {  	[smem:$0x3FC5] =	sst s2  }
0x8f: {  	_ = 	snop  }
0x90: {  	s2 =	sld [smem:$0x3FC9]  }
0x91: {  	s18 =	sld [smem:$0x3FD0];
	(tm) =	ssettm $0x1  }
0x92: {  	s4 =	sld [smem:$0x3FFB];
	_ =	sdelay $0x3  }
0x93: {  	_ =	strace s4  }
0x94: {  	s4 =	sld [smem:$0x3FFC];
	_ =	sdelay $0x3  }
0x95: {  	_ =	strace s4  }
0x96: {  	s4 =	sld [smem:$0x3FFD];
	_ =	sdelay $0x3  }
0x97: {  	_ =	strace s4  }
0x98: {  	_ =	strace $0x8FFFFFFF  }
0x99: {  	s19 =	sld [smem:$0x3FDB];
	_ =	sdelay $0x1  }
0x9a: {  	s5 =	simm.s32 $_scs_section_size  }
0x9b: {  	s6 =	simm.s32 $_size__tile_overlayer_lowered;
	s7 =	simm.s32 $_tile_overlayer_lowered  }
0x9c: {  	s22 =	simm.s32 $0x1BFF;
	s21 =	sshll.u32 s7, $0x1;
	s4 =	sadd.s32 s5, s19  }
0x9d: {  	s8 =	simm.s32 $0x0;
	s20 =	sshll.u32 s6, $0x1;
	s6 =	sadd.s32 s21, s4  }
0x9e: {  	[timem:s8], [sflag:s22] =	dma.local [hbm:s6], s20  }
0x9f: {  	_ =	swait.ge [sflag:s22], s20  }
0xa0: {  	s5 =	ssub.s32 $0x0, s20;
	[sflag:s22] =	ssyncset.done $0x0  }
0xa1: {  	[sflag:s22] =	ssyncadd.s32 s5;
	_ =	sdelay $0x1  }
0xa2: {  	s23 =	simm.s32 $0x1B8B  }
0xa3: {  	_ =	swait.ge [sflag:s23], $0x1  }
0xa4: {  	[sflag:s23] =	ssyncset.done $0x0  }
0xa5: {  	s25 =	simm.s32 $0x1B8E;
	s24 =	sld [smem:$0x3FFE];
	[sflag:s23] =	ssyncadd.s32 $0xFFFFFFFF  }
0xa6: {  	s26 =	simm.s32 $execute0_lowered;
	[smem:$0x3FD2] =	sst s25  }
0xa7: {  	s6 =	sshll.u32 s26, $0x1;
	_ =	strace $0x80000046;
	[dreg:$0x1] =	wrdreg $0xFFFFFFFF  }
0xa8: {  	s28 =	simm.s32 $_size_execute0_lowered;
	s4 =	sadd.s32 s4, s6;
	[dreg:$0x0] =	wrdreg $0x0  }
0xa9: {  	s6 =	sshll.u32 s28, $0x1;
	[dreg:$0x2] =	wrdreg s4  }
0xaa: {  	[dreg:$0x3] =	wrdreg s6  }
0xab: {  	[dreg:$0x4] =	wrdreg $0xC0  }
0xac: {  	_ =	task [dreg:s8], $0x5FFFF  }
0xad: {  	[dreg:$0x1] =	wrdreg $0xFFFFFFFF  }
0xae: {  	[dreg:$0x0] =	wrdreg $0x60  }
0xaf: {  	[dreg:$0x2] =	wrdreg s2  }
0xb0: {  	[dreg:$0x3] =	wrdreg s24  }
0xb1: {  	[dreg:$0x4] =	wrdreg s18  }
0xb2: {  	[dreg:$0x5] =	wrdreg $0x9  }
0xb3: {  	_ =	task.clear_ibuf [dreg:s8], $0x6FFFF;
	_ =	strace $0x90000046  }
0xb4: {  	s29 =	simm.s32 $0x9;
	_ =	strace $0x80000048  }
0xb5: {  	_ =	swait.ge [sflag:s29], $0x1  }
0xb6: {  	[sflag:s29] =	ssyncadd.s32 $0xFFFFFFFF  }
0xb7: {  	_ =	strace $0x90000048  }
0xb8: {  	_ =	sfence  }
0xb9: {  	s30 =	sld [smem:$0x0];
	_ =	sdelay $0x2  }
0xba: {  	s31 =	sshll.u32 s1, $0xD;
	s1 =	sshrl.u32 s1, $0x2  }
0xbb: {  	s3 =	sand.u32 $0x4000, s31;
	s1 =	sadd.s32 s1, s30  }
0xbc: {  	s0 =	sor.u32 s3, s0;
	s1 =	sshll.u32 s1, $0x11  }
0xbd: {  	s0 =	sor.u32 s1, s0  }
0xbe: {  	s0 =	sadd.s32 $0x8F2B, s0  }
0xbf: {  	[sflag:s0] =	ssyncadd.remote.s32 $0x1  }
0xc0: {  	_ =	sfence.sel $0xFFFF  }
0xc1: {  	[dreg:$0x0] =	wrdreg $0xFFFFFFFF;
	(pc) =	sbr.abs _section_cstart, $3  }
0xc2: {  	[dreg:$0x1] =	wrdreg $0xFFFFFFFF  }
0xc3: {  	_ =	task.clear_ibuf [dreg:s8], $0x2FFFF;
	_ =	strace $0x9FFFFFFF  }
0xc4: {  	(tm) =	ssettm $0x7FFFFFFF  }
0xc5: {  	_ =	shalt  }
tec
execute0_lowered:
.L_overlay_start_1:
0x0: {  	(tag) =	ssettag $0x1  }
0x1: {  	s1 =	rddreg [dreg:$0x0]  }
0x2: {  	s0 =	rddreg [dreg:$0x1]  }
0x3: {  	s2 =	srdreg.scid;
	s4 =	stileid.u32  }
0x4: {  	s3 =	rddreg [dreg:$0x2];
	s19 =	simm.s32 $0x5;
	s29 =	simm.s32 $0x400  }
0x5: {  	s20 =	simm.s32 $0x14300;
	s21 =	simm.s32 $0x2;
	s22 =	simm.s32 $0x18300  }
0x6: {  	s25 =	simm.s32 $0x0;
	s26 =	simm.s32 $0x0;
	s2 =	sand.u32 $0x1, s2  }
0x7: {  	s5 =	sshll.u32 s4, $0x1;
	s4 =	simm.s32 $0x0;
	s10 =	sadd.s32 $0x600, s1  }
0x8: {  	s11 =	sadd.s32 $0x800, s1;
	s12 =	sadd.s32 $0xA00, s1;
	s14 =	sadd.s32 $0xC00, s1  }
0x9: {  	s15 =	sadd.s32 $0xE00, s1;
	s17 =	sadd.s32 $0x40, s3;
	s6 =	sor.u32 s2, s5  }
0xa: {  	[smem:$0x7FF] =	sst s4;
	s2 =	ssub.s32 $0x2, s2;
	s5 =	sshll.u32 s6, $0xA  }
0xb: {  	_ =	strace $0x80000047;
	s30 =	sshrl.u32 s2, $0x1;
	s7 =	sadd.s32 s5, s0  }
0xc: {  	s2 =	ssub.s32 s2, s30;
	s5 =	sshll.u32 s6, $0x8;
	s6 =	sshll.u32 s6, $0x7  }
0xd: {  	s8 =	sadd.s32 $0x8800, s7;
	s9 =	sand.u32 $0x1800, s5;
	s6 =	sand.u32 $0x380, s6  }
0xe: {  	s7 =	sadd.s32 $0x800, s7;
	[dreg:$0x4] =	wrdreg s8;
	s6 =	sor.u32 s6, s9  }
0xf: {  	s31 =	smax.u32 s2, $0x1;
	[dreg:$0x5] =	wrdreg s7;
	s6 =	sshrl.u32 s6, $0x3  }
0x10: {  	v0 =	vlaneseq.u32;
	s2 =	simm.s32 $0x1;
	[dreg:$0x8] =	wrdreg s31;
	s0 =	sadd.s32 s0, s6  }
0x11: {  	v1 =	vshrl.u32 v0, $0x2;
	s8 =	sadd.s32 $0x200, s1;
	[dreg:$0x6] =	wrdreg s0;
	s0 =	sadd.s32 $0x400, s0  }
0x12: {  	vm0 =	vmmov $0xffff;
	v0 =	vand.u32 $0x3, v0;
	v1 =	vmul.u32 $0x8, v1;
	s9 =	sadd.s32 $0x400, s1;
	[dreg:$0x7] =	wrdreg s0;
	s0 =	simm.s32 $0x200  }
.LBB2_1:
0x13: {  	s6 =	rddreg [dreg:$0x4]  }
0x14: {  	[tilespmem:s4], [sflag:$0x5] =	stream.linear.gather [hbm4b:s6+s4], $0x2000, $0x38;
	[tilespmem:$0x1C300] =	vst v63  }
0x15: {  	_ =	swait.ge [sflag:s19], $0x2000  }
0x16: {  	[sflag:s19] =	ssyncset.done $0x0  }
0x17: {  	s7 =	simm.s32 $0x2000;
	s31 =	rddreg [dreg:$0x5];
	[sflag:s19] =	ssyncadd.s32 $0xFFFFE000  }
0x18: {  	[tilespmem:s7], [sflag:$0x5] =	stream.linear.gather [hbm4b:s31+s4], $0x2000, $0x38;
	[tilespmem:$0x1C300] =	vst v63  }
0x19: {  	_ =	swait.ge [sflag:s19], $0x2000  }
0x1a: {  	[sflag:s19] =	ssyncset.done $0x0  }
0x1b: {  	[sflag:s19] =	ssyncadd.s32 $0xFFFFE000  }
0x1c: {  	v2 =	vld.msk [tilespmem:$0x0], $0xf;
	_ =	sdelay $0x4  }
0x1d: {  	v3 =	vshll.u32 v2, $0x5  }
0x1e: {  	v2 =	vand.u32 $0x7, v2;
	v3 =	vand.u32 $0xFFFFFF00, v3  }
0x1f: {  	v2 =	vor.u32 v2, v3  }
0x20: {  	v2 =	vperm.xlane v2, v0;
	_ =	sdelay $0x1  }
0x21: {  	v2 =	vadd.s32 v1, v2;
	_ =	sdelay $0x3  }
0x22: {  	s7 =	simm.s32 $0x4300  }
0x23: {  	[tilespmem:s7], [sflag:$0x1] =	stream.indirect_vreg.gather [hbm4b:s1+s4], $0x80, v2, vm0, $0xb8;
	[tilespmem:$0x1C300] =	vst v63  }
0x24: {  	s13 =	simm.s32 $0x4B00  }
0x25: {  	[tilespmem:s13], [sflag:$0x1] =	stream.indirect_vreg.gather [hbm4b:s8+s4], $0x80, v2, vm0, $0xb8;
	[tilespmem:$0x1C300] =	vst v63  }
0x26: {  	s16 =	simm.s32 $0x5300  }
0x27: {  	[tilespmem:s16], [sflag:$0x1] =	stream.indirect_vreg.gather [hbm4b:s9+s4], $0x80, v2, vm0, $0xb8;
	[tilespmem:$0x1C300] =	vst v63  }
0x28: {  	s18 =	simm.s32 $0x5B00  }
0x29: {  	[tilespmem:s18], [sflag:$0x1] =	stream.indirect_vreg.gather [hbm4b:s10+s4], $0x80, v2, vm0, $0xb8;
	[tilespmem:$0x1C300] =	vst v63  }
0x2a: {  	s23 =	simm.s32 $0x6300  }
0x2b: {  	[tilespmem:s23], [sflag:$0x1] =	stream.indirect_vreg.gather [hbm4b:s11+s4], $0x80, v2, vm0, $0xb8;
	[tilespmem:$0x1C300] =	vst v63  }
0x2c: {  	s24 =	simm.s32 $0x6B00  }
0x2d: {  	[tilespmem:s24], [sflag:$0x1] =	stream.indirect_vreg.gather [hbm4b:s12+s4], $0x80, v2, vm0, $0xb8;
	[tilespmem:$0x1C300] =	vst v63  }
0x2e: {  	s28 =	simm.s32 $0x7300  }
0x2f: {  	[tilespmem:s28], [sflag:$0x1] =	stream.indirect_vreg.gather [hbm4b:s14+s4], $0x80, v2, vm0, $0xb8;
	[tilespmem:$0x1C300] =	vst v63  }
0x30: {  	s30 =	simm.s32 $0x7B00  }
0x31: {  	[tilespmem:s30], [sflag:$0x1] =	stream.indirect_vreg.gather [hbm4b:s15+s4], $0x80, v2, vm0, $0xb8;
	[tilespmem:$0x1C300] =	vst v63  }
0x32: {  	v2 =	vld.msk [tilespmem:$0x2000], $0xf;
	_ =	sdelay $0x4  }
0x33: {  	v3 =	vshll.u32 v2, $0x5  }
0x34: {  	v2 =	vand.u32 $0x7, v2;
	v3 =	vand.u32 $0xFFFFFF00, v3  }
0x35: {  	v2 =	vor.u32 v2, v3  }
0x36: {  	v2 =	vperm.xlane v2, v0;
	_ =	sdelay $0x1  }
0x37: {  	v2 =	vadd.s32 v1, v2;
	_ =	sdelay $0x3  }
0x38: {  	s31 =	simm.s32 $0xC300  }
0x39: {  	[tilespmem:s31], [sflag:$0x1] =	stream.indirect_vreg.gather [hbm4b:s1+s4], $0x80, v2, vm0, $0xb8;
	[tilespmem:$0x1C300] =	vst v63  }
0x3a: {  	s7 =	simm.s32 $0xCB00  }
0x3b: {  	[tilespmem:s7], [sflag:$0x1] =	stream.indirect_vreg.gather [hbm4b:s8+s4], $0x80, v2, vm0, $0xb8;
	[tilespmem:$0x1C300] =	vst v63  }
0x3c: {  	s13 =	simm.s32 $0xD300  }
0x3d: {  	[tilespmem:s13], [sflag:$0x1] =	stream.indirect_vreg.gather [hbm4b:s9+s4], $0x80, v2, vm0, $0xb8;
	[tilespmem:$0x1C300] =	vst v63  }
0x3e: {  	s16 =	simm.s32 $0xDB00  }
0x3f: {  	[tilespmem:s16], [sflag:$0x1] =	stream.indirect_vreg.gather [hbm4b:s10+s4], $0x80, v2, vm0, $0xb8;
	[tilespmem:$0x1C300] =	vst v63  }
0x40: {  	s18 =	simm.s32 $0xE300  }
0x41: {  	[tilespmem:s18], [sflag:$0x1] =	stream.indirect_vreg.gather [hbm4b:s11+s4], $0x80, v2, vm0, $0xb8;
	[tilespmem:$0x1C300] =	vst v63  }
0x42: {  	s23 =	simm.s32 $0xEB00  }
0x43: {  	[tilespmem:s23], [sflag:$0x1] =	stream.indirect_vreg.gather [hbm4b:s12+s4], $0x80, v2, vm0, $0xb8;
	[tilespmem:$0x1C300] =	vst v63  }
0x44: {  	s24 =	simm.s32 $0xF300  }
0x45: {  	[tilespmem:s24], [sflag:$0x1] =	stream.indirect_vreg.gather [hbm4b:s14+s4], $0x80, v2, vm0, $0xb8;
	[tilespmem:$0x1C300] =	vst v63  }
0x46: {  	s28 =	simm.s32 $0xFB00  }
0x47: {  	[tilespmem:s28], [sflag:$0x1] =	stream.indirect_vreg.gather [hbm4b:s15+s4], $0x80, v2, vm0, $0xb8;
	[tilespmem:$0x1C300] =	vst v63  }
0x48: {  	v2 =	vld.msk [tilespmem:$0x80], $0xf;
	_ =	sdelay $0x4  }
0x49: {  	v3 =	vshll.u32 v2, $0x5  }
0x4a: {  	v2 =	vand.u32 $0x7, v2;
	v3 =	vand.u32 $0xFFFFFF00, v3  }
0x4b: {  	v2 =	vor.u32 v2, v3  }
0x4c: {  	v2 =	vperm.xlane v2, v0;
	_ =	sdelay $0x1  }
0x4d: {  	v2 =	vadd.s32 v1, v2;
	_ =	sdelay $0x3  }
0x4e: {  	s30 =	simm.s32 $0x8300  }
0x4f: {  	[tilespmem:s30], [sflag:$0x2] =	stream.indirect_vreg.gather [hbm4b:s1+s4], $0x80, v2, vm0, $0xb8;
	[tilespmem:$0x1C300] =	vst v63  }
0x50: {  	s31 =	simm.s32 $0x8B00  }
0x51: {  	[tilespmem:s31], [sflag:$0x2] =	stream.indirect_vreg.gather [hbm4b:s8+s4], $0x80, v2, vm0, $0xb8;
	[tilespmem:$0x1C300] =	vst v63  }
0x52: {  	s7 =	simm.s32 $0x9300  }
0x53: {  	[tilespmem:s7], [sflag:$0x2] =	stream.indirect_vreg.gather [hbm4b:s9+s4], $0x80, v2, vm0, $0xb8;
	[tilespmem:$0x1C300] =	vst v63  }
0x54: {  	s13 =	simm.s32 $0x9B00  }
0x55: {  	[tilespmem:s13], [sflag:$0x2] =	stream.indirect_vreg.gather [hbm4b:s10+s4], $0x80, v2, vm0, $0xb8;
	[tilespmem:$0x1C300] =	vst v63  }
0x56: {  	s16 =	simm.s32 $0xA300  }
0x57: {  	[tilespmem:s16], [sflag:$0x2] =	stream.indirect_vreg.gather [hbm4b:s11+s4], $0x80, v2, vm0, $0xb8;
	[tilespmem:$0x1C300] =	vst v63  }
0x58: {  	s18 =	simm.s32 $0xAB00  }
0x59: {  	[tilespmem:s18], [sflag:$0x2] =	stream.indirect_vreg.gather [hbm4b:s12+s4], $0x80, v2, vm0, $0xb8;
	[tilespmem:$0x1C300] =	vst v63  }
0x5a: {  	s23 =	simm.s32 $0xB300  }
0x5b: {  	[tilespmem:s23], [sflag:$0x2] =	stream.indirect_vreg.gather [hbm4b:s14+s4], $0x80, v2, vm0, $0xb8;
	[tilespmem:$0x1C300] =	vst v63  }
0x5c: {  	s24 =	simm.s32 $0xBB00  }
0x5d: {  	[tilespmem:s24], [sflag:$0x2] =	stream.indirect_vreg.gather [hbm4b:s15+s4], $0x80, v2, vm0, $0xb8;
	[tilespmem:$0x1C300] =	vst v63  }
0x5e: {  	v2 =	vld.msk [tilespmem:$0x2080], $0xf;
	_ =	sdelay $0x4  }
0x5f: {  	v3 =	vshll.u32 v2, $0x5  }
0x60: {  	v2 =	vand.u32 $0x7, v2;
	v3 =	vand.u32 $0xFFFFFF00, v3  }
0x61: {  	v2 =	vor.u32 v2, v3  }
0x62: {  	v2 =	vperm.xlane v2, v0;
	_ =	sdelay $0x1  }
0x63: {  	v2 =	vadd.s32 v1, v2;
	_ =	sdelay $0x3  }
0x64: {  	s28 =	simm.s32 $0x10300  }
0x65: {  	[tilespmem:s28], [sflag:$0x2] =	stream.indirect_vreg.gather [hbm4b:s1+s4], $0x80, v2, vm0, $0xb8;
	[tilespmem:$0x1C300] =	vst v63  }
0x66: {  	s30 =	simm.s32 $0x10B00  }
0x67: {  	[tilespmem:s30], [sflag:$0x2] =	stream.indirect_vreg.gather [hbm4b:s8+s4], $0x80, v2, vm0, $0xb8;
	[tilespmem:$0x1C300] =	vst v63  }
0x68: {  	s31 =	simm.s32 $0x11300  }
0x69: {  	[tilespmem:s31], [sflag:$0x2] =	stream.indirect_vreg.gather [hbm4b:s9+s4], $0x80, v2, vm0, $0xb8;
	[tilespmem:$0x1C300] =	vst v63  }
0x6a: {  	s7 =	simm.s32 $0x11B00  }
0x6b: {  	[tilespmem:s7], [sflag:$0x2] =	stream.indirect_vreg.gather [hbm4b:s10+s4], $0x80, v2, vm0, $0xb8;
	[tilespmem:$0x1C300] =	vst v63  }
0x6c: {  	s13 =	simm.s32 $0x12300  }
0x6d: {  	[tilespmem:s13], [sflag:$0x2] =	stream.indirect_vreg.gather [hbm4b:s11+s4], $0x80, v2, vm0, $0xb8;
	[tilespmem:$0x1C300] =	vst v63  }
0x6e: {  	s16 =	simm.s32 $0x12B00  }
0x6f: {  	[tilespmem:s16], [sflag:$0x2] =	stream.indirect_vreg.gather [hbm4b:s12+s4], $0x80, v2, vm0, $0xb8;
	[tilespmem:$0x1C300] =	vst v63  }
0x70: {  	s18 =	simm.s32 $0x13300  }
0x71: {  	[tilespmem:s18], [sflag:$0x2] =	stream.indirect_vreg.gather [hbm4b:s14+s4], $0x80, v2, vm0, $0xb8;
	[tilespmem:$0x1C300] =	vst v63  }
0x72: {  	s23 =	simm.s32 $0x13B00  }
0x73: {  	[tilespmem:s23], [sflag:$0x2] =	stream.indirect_vreg.gather [hbm4b:s15+s4], $0x80, v2, vm0, $0xb8;
	[tilespmem:$0x1C300] =	vst v63  }
0x74: {  	s24 =	rddreg [dreg:$0x7];
	s28 =	simm.s32 $0x80;
	s13 =	simm.s32 $0x4000  }
0x75: {  	[tilespmem:s13], [sflag:$0x5] =	stream.strided.gather [hbm4b:s24+s28], $0x100, s29, s28, $0x38;
	[tilespmem:$0x1C300] =	vst v63  }
0x76: {  	_ =	swait.ge [sflag:s19], $0x100  }
0x77: {  	[sflag:s19] =	ssyncset.done $0x0  }
0x78: {  	s31 =	simm.s32 $0x4180;
	s30 =	rddreg [dreg:$0x6];
	[sflag:s19] =	ssyncadd.s32 $0xFFFFFF00  }
0x79: {  	[tilespmem:s31], [sflag:$0x5] =	stream.strided.gather [hbm4b:s30+s28], $0x100, s29, s28, $0x38;
	[tilespmem:$0x1C300] =	vst v63  }
0x7a: {  	_ =	swait.ge [sflag:s19], $0x100  }
0x7b: {  	[sflag:s19] =	ssyncset.done $0x0  }
0x7c: {  	s6 =	simm.s32 $0x0;
	[sflag:s19] =	ssyncadd.s32 $0xFFFFFF00  }
0x7d: {  	v2 =	vld [tilespmem:s6+$0x4000]  }
0x7e: {  	v4 =	vld [tilespmem:s6+$0x4180];
	_ =	sdelay $0x4  }
0x7f: {  	v3 =	vadd.f32 v4, v2;
	_ =	sdelay $0x1  }
0x80: {  	(erf) = vrcp.f32 v3;
	_ =	sdelay $0x8  }
0x81: {  	v5 =	vpop (erf)  }
0x82: {  	s7 =	simm.s32 $0x40;
	v3 =	vmul.f32 v5, v2;
	v2 =	vmul.f32 v5, v4  }
.LBB2_2:
0x83: {  	p0 =	sne.s32 s7, $0x3C0;
	s13 =	smov.u32 s7;
	s7 =	sadd.s32 $0x40, s7  }
0x84: {  	s13 =	sshra.s32 s13, $0x2;
	[tilespmem:s6+$0x4000] =	vst v3  }
0x85: {  	v3 =	vld [tilespmem:s13+$0x4000];
	[tilespmem:s6+$0x4180] =	vst v2;
	s6 =	smov.u32 s13  }
0x86: {  	v2 =	vld [tilespmem:s6+$0x4180];
	_ =	sdelay $0x4  }
0x87: {  	v4 =	vadd.f32 v2, v3;
	_ =	sdelay $0x1  }
0x88: {  	(erf) = vrcp.f32 v4;
	_ =	sdelay $0x5  }
.Ltmp0:
0x89: {  	(pc) =	sbr.rel @p0 .LBB2_2-.Ltmp0, $3  }
0x8a: {  	_ =	sdelay $0x1  }
0x8b: {  	v4 =	vpop (erf)  }
0x8c: {  	v3 =	vmul.f32 v4, v3;
	v2 =	vmul.f32 v4, v2  }
0x8d: {  	_ = 	snop  }
0x8e: {  	[tilespmem:s6+$0x4000] =	vst v3  }
0x8f: {  	s30 =	simm.s32 $0x0;
	[tilespmem:s6+$0x4180] =	vst v2  }
.LBB2_4:
0x90: {  	p0 =	seq.s32 s30, $0x0  }
0x91: {  	s6 =	sshll.u32 @!p0 s30, $0x8  }
0x92: {  	s7 =	sor.u32 @!p0 $0x80, s6  }
0x93: {  	v2 =	vld.msk @!p0 [tilespmem:s7+$0x0], $0xf;
	_ =	sdelay $0x4  }
0x94: {  	v3 =	vshll.u32 @!p0 v2, $0x5  }
0x95: {  	v4 =	vlaneseq.u32 @!p0;
	v2 =	vand.u32 @!p0 $0x7, v2;
	v3 =	vand.u32 @!p0 $0xFFFFFF00, v3  }
0x96: {  	v2 =	vor.u32 @!p0 v2, v3;
	v3 =	vand.u32 @!p0 $0x3, v4;
	v4 =	vshrl.u32 @!p0 v4, $0x2  }
0x97: {  	v2 =	vperm.xlane @!p0 v2, v3;
	v4 =	vmul.u32 @!p0 $0x8, v4;
	_ =	sdelay $0x1  }
0x98: {  	v2 =	vadd.s32 @!p0 v4, v2;
	_ =	sdelay $0x3  }
0x99: {  	vm1 =	vmmov @!p0 $0xffff;
	s13 =	simm.s32 @!p0 $0x8300;
	s7 =	simm.s32 @!p0 $0x0  }
0x9a: {  	[tilespmem:s13], [sflag:$0x2] =	stream.indirect_vreg.gather @!p0 [hbm4b:s1+s7], $0x80, v2, vm1, $0xb8;
	[tilespmem:$0x1C300] =	vst v63  }
0x9b: {  	s13 =	simm.s32 @!p0 $0x8B00  }
0x9c: {  	[tilespmem:s13], [sflag:$0x2] =	stream.indirect_vreg.gather @!p0 [hbm4b:s8+s7], $0x80, v2, vm1, $0xb8;
	[tilespmem:$0x1C300] =	vst v63  }
0x9d: {  	s13 =	simm.s32 @!p0 $0x9300  }
0x9e: {  	[tilespmem:s13], [sflag:$0x2] =	stream.indirect_vreg.gather @!p0 [hbm4b:s9+s7], $0x80, v2, vm1, $0xb8;
	[tilespmem:$0x1C300] =	vst v63  }
0x9f: {  	s13 =	simm.s32 @!p0 $0x9B00  }
0xa0: {  	[tilespmem:s13], [sflag:$0x2] =	stream.indirect_vreg.gather @!p0 [hbm4b:s10+s7], $0x80, v2, vm1, $0xb8;
	[tilespmem:$0x1C300] =	vst v63  }
0xa1: {  	s13 =	simm.s32 @!p0 $0xA300  }
0xa2: {  	[tilespmem:s13], [sflag:$0x2] =	stream.indirect_vreg.gather @!p0 [hbm4b:s11+s7], $0x80, v2, vm1, $0xb8;
	[tilespmem:$0x1C300] =	vst v63  }
0xa3: {  	s13 =	simm.s32 @!p0 $0xAB00  }
0xa4: {  	[tilespmem:s13], [sflag:$0x2] =	stream.indirect_vreg.gather @!p0 [hbm4b:s12+s7], $0x80, v2, vm1, $0xb8;
	[tilespmem:$0x1C300] =	vst v63  }
0xa5: {  	s13 =	simm.s32 @!p0 $0xB300  }
0xa6: {  	[tilespmem:s13], [sflag:$0x2] =	stream.indirect_vreg.gather @!p0 [hbm4b:s14+s7], $0x80, v2, vm1, $0xb8;
	[tilespmem:$0x1C300] =	vst v63  }
0xa7: {  	s13 =	simm.s32 @!p0 $0xBB00  }
0xa8: {  	[tilespmem:s13], [sflag:$0x2] =	stream.indirect_vreg.gather @!p0 [hbm4b:s15+s7], $0x80, v2, vm1, $0xb8;
	[tilespmem:$0x1C300] =	vst v63  }
0xa9: {  	v2 =	vld.msk @!p0 [tilespmem:s6+$0x2080], $0xf;
	_ =	sdelay $0x4  }
0xaa: {  	v5 =	vshll.u32 @!p0 v2, $0x5  }
0xab: {  	v2 =	vand.u32 @!p0 $0x7, v2;
	v5 =	vand.u32 @!p0 $0xFFFFFF00, v5  }
0xac: {  	v2 =	vor.u32 @!p0 v2, v5  }
0xad: {  	v2 =	vperm.xlane @!p0 v2, v3;
	_ =	sdelay $0x1  }
0xae: {  	v2 =	vadd.s32 @!p0 v4, v2;
	_ =	sdelay $0x3  }
0xaf: {  	s6 =	simm.s32 @!p0 $0x10300  }
0xb0: {  	[tilespmem:s6], [sflag:$0x2] =	stream.indirect_vreg.gather @!p0 [hbm4b:s1+s7], $0x80, v2, vm1, $0xb8;
	[tilespmem:$0x1C300] =	vst v63  }
0xb1: {  	s6 =	simm.s32 @!p0 $0x10B00  }
0xb2: {  	[tilespmem:s6], [sflag:$0x2] =	stream.indirect_vreg.gather @!p0 [hbm4b:s8+s7], $0x80, v2, vm1, $0xb8;
	[tilespmem:$0x1C300] =	vst v63  }
0xb3: {  	s6 =	simm.s32 @!p0 $0x11300  }
0xb4: {  	[tilespmem:s6], [sflag:$0x2] =	stream.indirect_vreg.gather @!p0 [hbm4b:s9+s7], $0x80, v2, vm1, $0xb8;
	[tilespmem:$0x1C300] =	vst v63  }
0xb5: {  	s6 =	simm.s32 @!p0 $0x11B00  }
0xb6: {  	[tilespmem:s6], [sflag:$0x2] =	stream.indirect_vreg.gather @!p0 [hbm4b:s10+s7], $0x80, v2, vm1, $0xb8;
	[tilespmem:$0x1C300] =	vst v63  }
0xb7: {  	s6 =	simm.s32 @!p0 $0x12300  }
0xb8: {  	[tilespmem:s6], [sflag:$0x2] =	stream.indirect_vreg.gather @!p0 [hbm4b:s11+s7], $0x80, v2, vm1, $0xb8;
	[tilespmem:$0x1C300] =	vst v63  }
0xb9: {  	s6 =	simm.s32 @!p0 $0x12B00  }
0xba: {  	[tilespmem:s6], [sflag:$0x2] =	stream.indirect_vreg.gather @!p0 [hbm4b:s12+s7], $0x80, v2, vm1, $0xb8;
	[tilespmem:$0x1C300] =	vst v63  }
0xbb: {  	s6 =	simm.s32 @!p0 $0x13300  }
0xbc: {  	[tilespmem:s6], [sflag:$0x2] =	stream.indirect_vreg.gather @!p0 [hbm4b:s14+s7], $0x80, v2, vm1, $0xb8;
	[tilespmem:$0x1C300] =	vst v63  }
0xbd: {  	s6 =	simm.s32 @!p0 $0x13B00  }
0xbe: {  	[tilespmem:s6], [sflag:$0x2] =	stream.indirect_vreg.gather @!p0 [hbm4b:s15+s7], $0x80, v2, vm1, $0xb8;
	[tilespmem:$0x1C300] =	vst v63  }
0xbf: {  	s6 =	simm.s32 @!p0 $0x1  }
0xc0: {  	_ =	swait.ge @!p0 [sflag:s6], $0x4000  }
0xc1: {  	[sflag:s6] =	ssyncset.done @!p0 $0x0  }
0xc2: {  	[sflag:s6] =	ssyncadd.s32 @!p0 $0xFFFFC000  }
0xc3: {  	_ =	swait.ge [sflag:s2], $0x4000  }
0xc4: {  	s7 =	simm.s32 @!p0 $0x3;
	[sflag:s2] =	ssyncset.done $0x0  }
0xc5: {  	s7 =	simm.s32 @p0 $0x1;
	[sflag:s2] =	ssyncadd.s32 $0xFFFFC000  }
0xc6: {  	_ =	swait.ge [sflag:s7], $0x4000  }
0xc7: {  	[sflag:s7] =	ssyncset.done $0x0  }
0xc8: {  	s6 =	sshll.u32 s30, $0x3;
	[sflag:s7] =	ssyncadd.s32 $0xFFFFC000  }
0xc9: {  	s16 =	sand.u32 $0x60, s26;
	s18 =	sand.u32 $0x3E00, s26;
	v8 =	vld [tilespmem:s6+$0x4000]  }
0xca: {  	s31 =	sor.u32 s16, s18;
	v9 =	vld [tilespmem:s6+$0x4180]  }
0xcb: {  	v10 =	vld [tilespmem:s31+$0x4380]  }
0xcc: {  	v11 =	vld [tilespmem:s31+$0xC400]  }
0xcd: {  	v12 =	vld [tilespmem:s31+$0xC380]  }
0xce: {  	v13 =	vld [tilespmem:s31+$0x4400]  }
0xcf: {  	v14 =	vld [tilespmem:s31+$0xC300]  }
0xd0: {  	v15 =	vld [tilespmem:s31+$0x4300];
	v2 =	vbroadcast v8, $0x0;
	v3 =	vbroadcast v8, $0x1  }
0xd1: {  	v4 =	vbroadcast v8, $0x2;
	v5 =	vbroadcast v9, $0x1  }
0xd2: {  	v6 =	vbroadcast v9, $0x0;
	v7 =	vbroadcast v9, $0x2  }
0xd3: {  	v12 =	vmul.f32 v12, v5;
	v10 =	vmul.f32 v10, v3  }
0xd4: {  	v11 =	vmul.f32 v11, v7;
	v13 =	vmul.f32 v13, v4  }
0xd5: {  	v14 =	vmul.f32 v14, v6;
	v15 =	vmul.f32 v15, v2;
	v10 =	vadd.f32 v12, v10  }
0xd6: {  	s23 =	sand.u32 $0x3, s26;
	v11 =	vadd.f32 v11, v13  }
0xd7: {  	s7 =	sshll.u32 s23, $0x5;
	v59 =	vadd.f32 v14, v15;
	[tilespmem:s31+$0x14380] =	vst v10  }
0xd8: {  	s24 =	sadd.s32 $0x0, s7;
	[tilespmem:s31+$0x14400] =	vst v11  }
0xd9: {  	s7 =	sor.u32 $0x180, s24;
	[tilespmem:s31+$0x14300] =	vst v59  }
0xda: {  	v10 =	vld [tilespmem:s7+$0x4300]  }
0xdb: {  	v11 =	vld [tilespmem:s7+$0xC300];
	_ =	sdelay $0x2  }
0xdc: {  	v8 =	vbroadcast v8, $0x3;
	v9 =	vbroadcast v9, $0x3;
	_ =	sdelay $0x1  }
0xdd: {  	v10 =	vmul.f32 v10, v8;
	v11 =	vmul.f32 v11, v9;
	_ =	sdelay $0x1  }
0xde: {  	v10 =	vadd.f32 v11, v10;
	_ =	sdelay $0x1  }
0xdf: {  	[tilespmem:s7+$0x14300] =	vst v10  }
0xe0: {  	v10 =	vld [tilespmem:s31+$0x4310]  }
0xe1: {  	v11 =	vld [tilespmem:s31+$0xC310]  }
0xe2: {  	v60 =	vld [tilespmem:s31+$0x4390]  }
0xe3: {  	v61 =	vld [tilespmem:s31+$0x4410]  }
0xe4: {  	v62 =	vld [tilespmem:s31+$0xC410]  }
0xe5: {  	v63 =	vld [tilespmem:s31+$0xC390];
	_ =	sdelay $0x2  }
0xe6: {  	v10 =	vmul.f32 v10, v2;
	v11 =	vmul.f32 v11, v6  }
0xe7: {  	v13 =	vmul.f32 v61, v4;
	v14 =	vmul.f32 v62, v7  }
0xe8: {  	v12 =	vmul.f32 v60, v3;
	v15 =	vmul.f32 v63, v5;
	v10 =	vadd.f32 v11, v10  }
0xe9: {  	s16 =	simm.s32 $0x20;
	s18 =	simm.s32 $0x0;
	v11 =	vadd.f32 v14, v13  }
0xea: {  	s13 =	simm.s32 $0x0;
	s28 =	sadd.s32 $0x10, s24;
	s7 =	simm.s32 $0x0;
	[tilespmem:s31+$0x14310] =	vst v10;
	v10 =	vadd.f32 v15, v12  }
.LBB2_5:
0xeb: {  	s7 =	sadd.s32 $0x2, s7;
	[tilespmem:s31+$0x14410] =	vst v11;
	s18 =	sadd.s32 $0x80, s18;
	s13 =	sadd.s32 $0x1, s13  }
0xec: {  	s28 =	sor.u32 $0x180, s28;
	p1 =	slt.u32 s7, $0xFE;
	[tilespmem:s31+$0x14390] =	vst v10  }
0xed: {  	v10 =	vld [tilespmem:s28+$0x4300]  }
0xee: {  	v11 =	vld [tilespmem:s28+$0xC300];
	_ =	sdelay $0x4  }
0xef: {  	v10 =	vmul.f32 v10, v8;
	v11 =	vmul.f32 v11, v9;
	_ =	sdelay $0x1  }
0xf0: {  	v10 =	vadd.f32 v11, v10  }
0xf1: {  	s31 =	sand.u32 $0x60, s16;
	s23 =	sand.u32 $0x3E00, s18  }
0xf2: {  	s31 =	sor.u32 s31, s23;
	[tilespmem:s28+$0x14300] =	vst v10  }
0xf3: {  	v10 =	vld [tilespmem:s31+$0x4380]  }
0xf4: {  	v11 =	vld [tilespmem:s31+$0xC400]  }
0xf5: {  	v12 =	vld [tilespmem:s31+$0xC380]  }
0xf6: {  	v13 =	vld [tilespmem:s31+$0x4400]  }
0xf7: {  	v14 =	vld [tilespmem:s31+$0xC300]  }
0xf8: {  	v15 =	vld [tilespmem:s31+$0x4300];
	_ =	sdelay $0x1  }
0xf9: {  	v11 =	vmul.f32 v11, v7;
	v12 =	vmul.f32 v12, v5  }
0xfa: {  	v10 =	vmul.f32 v10, v3;
	v13 =	vmul.f32 v13, v4  }
0xfb: {  	v14 =	vmul.f32 v14, v6  }
0xfc: {  	v10 =	vadd.f32 v12, v10;
	v15 =	vmul.f32 v15, v2;
	v11 =	vadd.f32 v11, v13  }
0xfd: {  	s23 =	sand.u32 $0x3, s13  }
0xfe: {  	s23 =	sshll.u32 s23, $0x5;
	v12 =	vadd.f32 v14, v15;
	[tilespmem:s31+$0x14380] =	vst v10  }
0xff: {  	s23 =	sadd.s32 s23, s18;
	[tilespmem:s31+$0x14400] =	vst v11  }
0x100: {  	s24 =	sor.u32 $0x180, s23;
	s28 =	sadd.s32 $0x10, s23;
	[tilespmem:s31+$0x14300] =	vst v12  }
0x101: {  	v10 =	vld [tilespmem:s24+$0x4300]  }
0x102: {  	v11 =	vld [tilespmem:s24+$0xC300];
	_ =	sdelay $0x3  }
0x103: {  	v10 =	vmul.f32 v10, v8  }
0x104: {  	v11 =	vmul.f32 v11, v9;
	_ =	sdelay $0x1  }
0x105: {  	v10 =	vadd.f32 v11, v10;
	_ =	sdelay $0x1  }
0x106: {  	[tilespmem:s24+$0x14300] =	vst v10  }
0x107: {  	v10 =	vld [tilespmem:s31+$0x4310]  }
0x108: {  	v11 =	vld [tilespmem:s31+$0xC310]  }
0x109: {  	v12 =	vld [tilespmem:s31+$0x4390]  }
0x10a: {  	v13 =	vld [tilespmem:s31+$0x4410]  }
0x10b: {  	v14 =	vld [tilespmem:s31+$0xC410]  }
0x10c: {  	v15 =	vld [tilespmem:s31+$0xC390]  }
0x10d: {  	v10 =	vmul.f32 v10, v2;
	v11 =	vmul.f32 v11, v6;
	_ =	sdelay $0x1  }
.Ltmp1:
0x10e: {  	v10 =	vadd.f32 v11, v10;
	(pc) =	sbr.rel @p1 .LBB2_5-.Ltmp1, $4  }
0x10f: {  	v11 =	vmul.f32 v13, v4;
	v13 =	vmul.f32 v14, v7  }
0x110: {  	[tilespmem:s31+$0x14310] =	vst v10;
	v10 =	vmul.f32 v12, v3;
	v12 =	vmul.f32 v15, v5  }
0x111: {  	v11 =	vadd.f32 v13, v11  }
0x112: {  	s16 =	sadd.s32 $0x20, s16;
	v10 =	vadd.f32 v12, v10  }
0x113: {  	[tilespmem:s31+$0x14410] =	vst v11  }
0x114: {  	s7 =	sor.u32 $0x180, s28;
	[tilespmem:s31+$0x14390] =	vst v10  }
0x115: {  	v2 =	vld [tilespmem:s7+$0x4300]  }
0x116: {  	v3 =	vld [tilespmem:s7+$0xC300];
	_ =	sdelay $0x4  }
0x117: {  	v2 =	vmul.f32 v2, v8;
	v3 =	vmul.f32 v3, v9;
	_ =	sdelay $0x1  }
0x118: {  	s13 =	sadd.s32 s5, s6;
	v2 =	vadd.f32 v3, v2  }
0x119: {  	p1 =	seq.s32 s30, $0x1F;
	s31 =	sshll.u32 s13, $0x9  }
0x11a: {  	s23 =	sadd.s32 s3, s31;
	[tilespmem:s7+$0x14300] =	vst v2;
	s7 =	sshll.u32 @!p1 s30, $0x8  }
0x11b: {  	[hbm4b:s23+s0] =	stream.strided.scatter [tilespmem:s20], [sflag:$0x3], $0x4000, s29, s0, $0x38;
	[tilespmem:$0x1C300] =	vst v63  }
0x11c: {  	v2 =	vld.msk @!p1 [tilespmem:s7+$0x100], $0xf;
	_ =	sdelay $0x4  }
0x11d: {  	v3 =	vshll.u32 @!p1 v2, $0x5  }
0x11e: {  	v4 =	vlaneseq.u32 @!p1;
	v2 =	vand.u32 @!p1 $0x7, v2;
	v3 =	vand.u32 @!p1 $0xFFFFFF00, v3  }
0x11f: {  	v2 =	vor.u32 @!p1 v2, v3;
	v3 =	vand.u32 @!p1 $0x3, v4;
	v4 =	vshrl.u32 @!p1 v4, $0x2  }
0x120: {  	v2 =	vperm.xlane @!p1 v2, v3;
	v4 =	vmul.u32 @!p1 $0x8, v4;
	_ =	sdelay $0x1  }
0x121: {  	v2 =	vadd.s32 @!p1 v4, v2;
	_ =	sdelay $0x3  }
0x122: {  	vm1 =	vmmov @!p1 $0xffff;
	s13 =	simm.s32 @!p1 $0x0;
	s16 =	simm.s32 @!p1 $0x4300  }
0x123: {  	[tilespmem:s16], [sflag:$0x1] =	stream.indirect_vreg.gather @!p1 [hbm4b:s1+s13], $0x80, v2, vm1, $0xb8;
	[tilespmem:$0x1C300] =	vst v63  }
0x124: {  	s16 =	simm.s32 @!p1 $0x4B00  }
0x125: {  	[tilespmem:s16], [sflag:$0x1] =	stream.indirect_vreg.gather @!p1 [hbm4b:s8+s13], $0x80, v2, vm1, $0xb8;
	[tilespmem:$0x1C300] =	vst v63  }
0x126: {  	s16 =	simm.s32 @!p1 $0x5300  }
0x127: {  	[tilespmem:s16], [sflag:$0x1] =	stream.indirect_vreg.gather @!p1 [hbm4b:s9+s13], $0x80, v2, vm1, $0xb8;
	[tilespmem:$0x1C300] =	vst v63  }
0x128: {  	s16 =	simm.s32 @!p1 $0x5B00  }
0x129: {  	[tilespmem:s16], [sflag:$0x1] =	stream.indirect_vreg.gather @!p1 [hbm4b:s10+s13], $0x80, v2, vm1, $0xb8;
	[tilespmem:$0x1C300] =	vst v63  }
0x12a: {  	s16 =	simm.s32 @!p1 $0x6300  }
0x12b: {  	[tilespmem:s16], [sflag:$0x1] =	stream.indirect_vreg.gather @!p1 [hbm4b:s11+s13], $0x80, v2, vm1, $0xb8;
	[tilespmem:$0x1C300] =	vst v63  }
0x12c: {  	s16 =	simm.s32 @!p1 $0x6B00  }
0x12d: {  	[tilespmem:s16], [sflag:$0x1] =	stream.indirect_vreg.gather @!p1 [hbm4b:s12+s13], $0x80, v2, vm1, $0xb8;
	[tilespmem:$0x1C300] =	vst v63  }
0x12e: {  	s16 =	simm.s32 @!p1 $0x7300  }
0x12f: {  	[tilespmem:s16], [sflag:$0x1] =	stream.indirect_vreg.gather @!p1 [hbm4b:s14+s13], $0x80, v2, vm1, $0xb8;
	[tilespmem:$0x1C300] =	vst v63  }
0x130: {  	s16 =	simm.s32 @!p1 $0x7B00  }
0x131: {  	[tilespmem:s16], [sflag:$0x1] =	stream.indirect_vreg.gather @!p1 [hbm4b:s15+s13], $0x80, v2, vm1, $0xb8;
	[tilespmem:$0x1C300] =	vst v63  }
0x132: {  	v2 =	vld.msk @!p1 [tilespmem:s7+$0x2100], $0xf;
	_ =	sdelay $0x4  }
0x133: {  	v5 =	vshll.u32 @!p1 v2, $0x5  }
0x134: {  	v2 =	vand.u32 @!p1 $0x7, v2;
	v5 =	vand.u32 @!p1 $0xFFFFFF00, v5  }
0x135: {  	v2 =	vor.u32 @!p1 v2, v5  }
0x136: {  	v2 =	vperm.xlane @!p1 v2, v3;
	_ =	sdelay $0x1  }
0x137: {  	v2 =	vadd.s32 @!p1 v4, v2;
	_ =	sdelay $0x3  }
0x138: {  	s7 =	simm.s32 @!p1 $0xC300  }
0x139: {  	[tilespmem:s7], [sflag:$0x1] =	stream.indirect_vreg.gather @!p1 [hbm4b:s1+s13], $0x80, v2, vm1, $0xb8;
	[tilespmem:$0x1C300] =	vst v63  }
0x13a: {  	s7 =	simm.s32 @!p1 $0xCB00  }
0x13b: {  	[tilespmem:s7], [sflag:$0x1] =	stream.indirect_vreg.gather @!p1 [hbm4b:s8+s13], $0x80, v2, vm1, $0xb8;
	[tilespmem:$0x1C300] =	vst v63  }
0x13c: {  	s7 =	simm.s32 @!p1 $0xD300  }
0x13d: {  	[tilespmem:s7], [sflag:$0x1] =	stream.indirect_vreg.gather @!p1 [hbm4b:s9+s13], $0x80, v2, vm1, $0xb8;
	[tilespmem:$0x1C300] =	vst v63  }
0x13e: {  	s7 =	simm.s32 @!p1 $0xDB00  }
0x13f: {  	[tilespmem:s7], [sflag:$0x1] =	stream.indirect_vreg.gather @!p1 [hbm4b:s10+s13], $0x80, v2, vm1, $0xb8;
	[tilespmem:$0x1C300] =	vst v63  }
0x140: {  	s7 =	simm.s32 @!p1 $0xE300  }
0x141: {  	[tilespmem:s7], [sflag:$0x1] =	stream.indirect_vreg.gather @!p1 [hbm4b:s11+s13], $0x80, v2, vm1, $0xb8;
	[tilespmem:$0x1C300] =	vst v63  }
0x142: {  	s7 =	simm.s32 @!p1 $0xEB00  }
0x143: {  	[tilespmem:s7], [sflag:$0x1] =	stream.indirect_vreg.gather @!p1 [hbm4b:s12+s13], $0x80, v2, vm1, $0xb8;
	[tilespmem:$0x1C300] =	vst v63  }
0x144: {  	s7 =	simm.s32 @!p1 $0xF300  }
0x145: {  	[tilespmem:s7], [sflag:$0x1] =	stream.indirect_vreg.gather @!p1 [hbm4b:s14+s13], $0x80, v2, vm1, $0xb8;
	[tilespmem:$0x1C300] =	vst v63  }
0x146: {  	s7 =	simm.s32 @!p1 $0xFB00  }
0x147: {  	[tilespmem:s7], [sflag:$0x1] =	stream.indirect_vreg.gather @!p1 [hbm4b:s15+s13], $0x80, v2, vm1, $0xb8;
	[tilespmem:$0x1C300] =	vst v63  }
0x148: {  	_ =	swait.ge [sflag:s21], $0x4000  }
0x149: {  	[sflag:s21] =	ssyncset.done $0x0  }
0x14a: {  	[sflag:s21] =	ssyncadd.s32 $0xFFFFC000  }
0x14b: {  	_ =	swait.ge [sflag:s21], $0x4000  }
0x14c: {  	[sflag:s21] =	ssyncset.done $0x0  }
0x14d: {  	s7 =	simm.s32 @!p0 $0x4;
	[sflag:s21] =	ssyncadd.s32 $0xFFFFC000  }
0x14e: {  	_ =	swait.ge @!p0 [sflag:s7], $0x4000  }
0x14f: {  	[sflag:s7] =	ssyncset.done @!p0 $0x0  }
0x150: {  	s24 =	sor.u32 $0x4, s6;
	s6 =	simm.s32 $0x0;
	[sflag:s7] =	ssyncadd.s32 @!p0 $0xFFFFC000  }
0x151: {  	s18 =	sand.u32 $0x3E00, s6;
	s16 =	sand.u32 $0x60, s6;
	v8 =	vld [tilespmem:s24+$0x4000]  }
0x152: {  	s7 =	sor.u32 s16, s18;
	v9 =	vld [tilespmem:s24+$0x4180]  }
0x153: {  	v10 =	vld [tilespmem:s7+$0x8380]  }
0x154: {  	v11 =	vld [tilespmem:s7+$0x10400]  }
0x155: {  	v12 =	vld [tilespmem:s7+$0x10380]  }
0x156: {  	v13 =	vld [tilespmem:s7+$0x8400]  }
0x157: {  	v14 =	vld [tilespmem:s7+$0x10300]  }
0x158: {  	v15 =	vld [tilespmem:s7+$0x8300];
	v2 =	vbroadcast v8, $0x0;
	v3 =	vbroadcast v8, $0x1  }
0x159: {  	v4 =	vbroadcast v8, $0x2;
	v5 =	vbroadcast v9, $0x1  }
0x15a: {  	v6 =	vbroadcast v9, $0x0;
	v7 =	vbroadcast v9, $0x2  }
0x15b: {  	v12 =	vmul.f32 v12, v5;
	v10 =	vmul.f32 v10, v3  }
0x15c: {  	v11 =	vmul.f32 v11, v7;
	v13 =	vmul.f32 v13, v4  }
0x15d: {  	v14 =	vmul.f32 v14, v6;
	v15 =	vmul.f32 v15, v2;
	v10 =	vadd.f32 v12, v10  }
0x15e: {  	s23 =	sand.u32 $0x3, s6;
	v11 =	vadd.f32 v11, v13  }
0x15f: {  	s13 =	sshll.u32 s23, $0x5;
	v59 =	vadd.f32 v14, v15;
	[tilespmem:s7+$0x18380] =	vst v10  }
0x160: {  	s13 =	sadd.s32 $0x0, s13;
	[tilespmem:s7+$0x18400] =	vst v11  }
0x161: {  	s24 =	sor.u32 $0x180, s13;
	[tilespmem:s7+$0x18300] =	vst v59  }
0x162: {  	v10 =	vld [tilespmem:s24+$0x8300]  }
0x163: {  	v11 =	vld [tilespmem:s24+$0x10300];
	_ =	sdelay $0x2  }
0x164: {  	v8 =	vbroadcast v8, $0x3;
	v9 =	vbroadcast v9, $0x3;
	_ =	sdelay $0x1  }
0x165: {  	v10 =	vmul.f32 v10, v8;
	v11 =	vmul.f32 v11, v9;
	_ =	sdelay $0x1  }
0x166: {  	v10 =	vadd.f32 v11, v10;
	_ =	sdelay $0x1  }
0x167: {  	[tilespmem:s24+$0x18300] =	vst v10  }
0x168: {  	v10 =	vld [tilespmem:s7+$0x8310]  }
0x169: {  	v11 =	vld [tilespmem:s7+$0x10310]  }
0x16a: {  	v60 =	vld [tilespmem:s7+$0x8390]  }
0x16b: {  	v61 =	vld [tilespmem:s7+$0x8410]  }
0x16c: {  	v62 =	vld [tilespmem:s7+$0x10410]  }
0x16d: {  	v63 =	vld [tilespmem:s7+$0x10390];
	_ =	sdelay $0x2  }
0x16e: {  	v10 =	vmul.f32 v10, v2;
	v11 =	vmul.f32 v11, v6  }
0x16f: {  	v13 =	vmul.f32 v61, v4;
	v14 =	vmul.f32 v62, v7  }
0x170: {  	v12 =	vmul.f32 v60, v3;
	v15 =	vmul.f32 v63, v5;
	v10 =	vadd.f32 v11, v10  }
0x171: {  	s30 =	sadd.s32 $0x1, s30;
	s28 =	sadd.s32 $0x10, s13;
	v11 =	vadd.f32 v14, v13  }
0x172: {  	s16 =	simm.s32 $0x0;
	s18 =	simm.s32 $0x20;
	s13 =	simm.s32 $0x0;
	[tilespmem:s7+$0x18310] =	vst v10;
	v10 =	vadd.f32 v15, v12  }
.LBB2_7:
0x173: {  	s16 =	sadd.s32 $0x2, s16;
	[tilespmem:s7+$0x18410] =	vst v11;
	s6 =	sadd.s32 $0x80, s6;
	s13 =	sadd.s32 $0x1, s13  }
0x174: {  	s23 =	sor.u32 $0x180, s28;
	p0 =	slt.u32 s16, $0xFE;
	[tilespmem:s7+$0x18390] =	vst v10  }
0x175: {  	v10 =	vld [tilespmem:s23+$0x8300]  }
0x176: {  	v11 =	vld [tilespmem:s23+$0x10300];
	_ =	sdelay $0x4  }
0x177: {  	v10 =	vmul.f32 v10, v8;
	v11 =	vmul.f32 v11, v9;
	_ =	sdelay $0x1  }
0x178: {  	v10 =	vadd.f32 v11, v10  }
0x179: {  	s7 =	sand.u32 $0x60, s18;
	s24 =	sand.u32 $0x3E00, s6  }
0x17a: {  	s7 =	sor.u32 s7, s24;
	[tilespmem:s23+$0x18300] =	vst v10  }
0x17b: {  	v10 =	vld [tilespmem:s7+$0x8380]  }
0x17c: {  	v11 =	vld [tilespmem:s7+$0x10400]  }
0x17d: {  	v12 =	vld [tilespmem:s7+$0x10380]  }
0x17e: {  	v13 =	vld [tilespmem:s7+$0x8400]  }
0x17f: {  	v14 =	vld [tilespmem:s7+$0x10300]  }
0x180: {  	v15 =	vld [tilespmem:s7+$0x8300];
	_ =	sdelay $0x1  }
0x181: {  	v11 =	vmul.f32 v11, v7;
	v12 =	vmul.f32 v12, v5  }
0x182: {  	v10 =	vmul.f32 v10, v3;
	v13 =	vmul.f32 v13, v4  }
0x183: {  	v14 =	vmul.f32 v14, v6  }
0x184: {  	v10 =	vadd.f32 v12, v10;
	v15 =	vmul.f32 v15, v2;
	v11 =	vadd.f32 v11, v13  }
0x185: {  	s23 =	sand.u32 $0x3, s13  }
0x186: {  	s23 =	sshll.u32 s23, $0x5;
	v12 =	vadd.f32 v14, v15;
	[tilespmem:s7+$0x18380] =	vst v10  }
0x187: {  	s23 =	sadd.s32 s23, s6;
	[tilespmem:s7+$0x18400] =	vst v11  }
0x188: {  	s24 =	sor.u32 $0x180, s23;
	s28 =	sadd.s32 $0x10, s23;
	[tilespmem:s7+$0x18300] =	vst v12  }
0x189: {  	v10 =	vld [tilespmem:s24+$0x8300]  }
0x18a: {  	v11 =	vld [tilespmem:s24+$0x10300];
	_ =	sdelay $0x3  }
0x18b: {  	v10 =	vmul.f32 v10, v8  }
0x18c: {  	v11 =	vmul.f32 v11, v9;
	_ =	sdelay $0x1  }
0x18d: {  	v10 =	vadd.f32 v11, v10;
	_ =	sdelay $0x1  }
0x18e: {  	[tilespmem:s24+$0x18300] =	vst v10  }
0x18f: {  	v10 =	vld [tilespmem:s7+$0x8310]  }
0x190: {  	v11 =	vld [tilespmem:s7+$0x10310]  }
0x191: {  	v12 =	vld [tilespmem:s7+$0x8390]  }
0x192: {  	v13 =	vld [tilespmem:s7+$0x8410]  }
0x193: {  	v14 =	vld [tilespmem:s7+$0x10410]  }
0x194: {  	v15 =	vld [tilespmem:s7+$0x10390]  }
0x195: {  	v10 =	vmul.f32 v10, v2;
	v11 =	vmul.f32 v11, v6;
	_ =	sdelay $0x1  }
.Ltmp2:
0x196: {  	v10 =	vadd.f32 v11, v10;
	(pc) =	sbr.rel @p0 .LBB2_7-.Ltmp2, $4  }
0x197: {  	v11 =	vmul.f32 v13, v4;
	v13 =	vmul.f32 v14, v7  }
0x198: {  	[tilespmem:s7+$0x18310] =	vst v10;
	v10 =	vmul.f32 v12, v3;
	v12 =	vmul.f32 v15, v5  }
0x199: {  	v11 =	vadd.f32 v13, v11  }
0x19a: {  	s18 =	sadd.s32 $0x20, s18;
	v10 =	vadd.f32 v12, v10  }
0x19b: {  	[tilespmem:s7+$0x18410] =	vst v11  }
0x19c: {  	s6 =	sor.u32 $0x180, s28;
	[tilespmem:s7+$0x18390] =	vst v10  }
0x19d: {  	v2 =	vld [tilespmem:s6+$0x8300]  }
0x19e: {  	v3 =	vld [tilespmem:s6+$0x10300];
	_ =	sdelay $0x4  }
0x19f: {  	p0 =	sne.s32 s30, $0x20;
	v2 =	vmul.f32 v2, v8;
	v3 =	vmul.f32 v3, v9  }
.Ltmp3:
0x1a0: {  	_ = 	snop;
	(pc) =	sbr.rel @p0 .LBB2_4-.Ltmp3, $3  }
0x1a1: {  	v2 =	vadd.f32 v3, v2;
	_ =	sdelay $0x1  }
0x1a2: {  	s31 =	sadd.s32 s31, s17;
	[tilespmem:s6+$0x18300] =	vst v2  }
0x1a3: {  	[hbm4b:s31+s0] =	stream.strided.scatter [tilespmem:s22], [sflag:$0x4], $0x4000, s29, s0, $0x38;
	[tilespmem:$0x1C300] =	vst v63  }
0x1a4: {  	s6 =	simm.s32 $0x3  }
0x1a5: {  	_ =	swait.ge [sflag:s6], $0x4000  }
0x1a6: {  	[sflag:s6] =	ssyncset.done $0x0  }
0x1a7: {  	s7 =	simm.s32 $0x4;
	[sflag:s6] =	ssyncadd.s32 $0xFFFFC000  }
0x1a8: {  	_ =	swait.ge [sflag:s7], $0x4000  }
0x1a9: {  	s25 =	sadd.s32 $0x1, s25;
	s31 =	rddreg [dreg:$0x8]  }
0x1aa: {  	p0 =	sne.s32 s25, s31  }
.Ltmp4:
0x1ab: {  	_ = 	snop;
	(pc) =	sbr.rel @p0 .LBB2_1-.Ltmp4, $3  }
0x1ac: {  	_ =	sdelay $0x1  }
0x1ad: {  	[sflag:s7] =	ssyncset.done $0x0  }
0x1ae: {  	[sflag:s7] =	ssyncadd.s32 $0xFFFFC000  }
0x1af: {  	_ =	sfence.sel $0x180000  }
0x1b0: {  	[bflag:$0x0] =	sbarrier.arrive $0xFFFF  }
0x1b1: {  	_ =	strace $0x90000047  }
0x1b2: {  	s0 =	stileid.u32;
	[bflag:$0x2] =	sbarrier.arrive $0xFFFF  }
0x1b3: {  	p0 =	sne.s32 s0, $0x0;
	s0 =	rddreg [dreg:$0x3]  }
0x1b4: {  	s0 =	sadd.s32 @!p0 $0x100000, s0  }
0x1b5: {  	[sflag:s0] =	ssyncadd.tile.s32 @!p0 $0x1;
	_ =	shalt  }
.Lfunc_end2:
_tile_overlayer_lowered:
.L_overlay_start_2:
0x1b6: {  	(tag) =	ssettag $0x2  }
0x1b7: {  	s0 =	rddreg [dreg:$0x0];
	s2 =	stileid.u32  }
0x1b8: {  	s1 =	rddreg [dreg:$0x1];
	p0 =	sne.s32 s2, $0x0  }
0x1b9: {  	s3 =	rddreg [dreg:$0x2];
	[bflag:$0x3] =	sbarrier.arrive $0xFFFF;
	s2 =	simm.s32 @!p0 $0x1C05  }
0x1ba: {  	[timem:s3], [sflag:s2] =	dma.local @!p0 [hbm:s0], s1  }
0x1bb: {  	s0 =	simm.s32 @!p0 $0x5  }
0x1bc: {  	_ =	swait.ge @!p0 [sflag:s0], s1  }
0x1bd: {  	s1 =	ssub.s32 @!p0 $0x0, s1;
	[sflag:s0] =	ssyncset.done @!p0 $0x0  }
0x1be: {  	[sflag:s0] =	ssyncadd.s32 @!p0 s1  }
0x1bf: {  	[bflag:$0x3] =	sbarrier.arrive $0xFFFF  }
0x1c0: {  	_ =	shalt  }

</sc_bundles>
